<compile_context>
chip_gen: v7x
topology: tpu7x:2x2x1
jax: 0.10.2.dev20260603
libtpu: 0.0.44.dev20260713+nightly
codegen_flags: <defaults>
</compile_context>

<pallas_src>
import dataclasses
import functools

import jax
import jax.numpy as jnp
from jax import lax
from jax.experimental import pallas as pl
from jax.experimental.pallas import tpu as pltpu
from jax.experimental.pallas import tpu_sc as plsc

_EPS = 1e-6


def _dist_body(K, Bn, d, ea_ref, c_ref, oidx, odmin, ca_ref):
    i = pl.program_id(0)

    @pl.when(i == 0)
    def _init():
        C = c_ref[...]
        ca_ref[:, :d] = -2.0 * C
        ca_ref[:, d:] = (jnp.sum(C * C + (2.0 * _EPS) * C, axis=1,
                                 keepdims=True) + d * _EPS * _EPS)

    ET = ea_ref[...]
    mat = jnp.dot(ca_ref[...], ET, preferred_element_type=jnp.float32)

    minv = jnp.min(mat, axis=0, keepdims=True)
    idx = jnp.argmin(mat, axis=0).astype(jnp.int32).reshape(1, Bn)
    E = ET[:d, :]
    tE = jnp.sum(E * E - (2.0 * _EPS) * E, axis=0, keepdims=True)
    oidx[...] = idx
    odmin[...] = jnp.sqrt(jnp.maximum(minv + tE, 0.0))


def _tc_distances(Ea, centroids, col0, ncols, Bn=2048):
    dp1, _ = Ea.shape
    d = dp1 - 1
    K = centroids.shape[0]
    nsteps = ncols // Bn
    blk0 = col0 // Bn
    body = functools.partial(_dist_body, K, Bn, d)
    idx, dmin = pl.pallas_call(
        body,
        grid=(nsteps,),
        in_specs=[
            pl.BlockSpec((d + 1, Bn), lambda i: (0, blk0 + i)),
            pl.BlockSpec((K, d), lambda i: (0, 0)),
        ],
        out_specs=[
            pl.BlockSpec((1, Bn), lambda i: (0, i)),
            pl.BlockSpec((1, Bn), lambda i: (0, i)),
        ],
        out_shape=[
            jax.ShapeDtypeStruct((1, ncols), jnp.int32),
            jax.ShapeDtypeStruct((1, ncols), jnp.float32),
        ],
        scratch_shapes=[
            pltpu.VMEM((K, d + 1), jnp.float32),
        ],
    )(Ea, centroids)
    return idx.reshape(ncols), dmin.reshape(ncols)


def _sc_segment_reduce(idx, dmin, K):
    N = idx.shape[0]
    NW = 32
    chunk = N // NW
    L = 16
    mesh = plsc.VectorSubcoreMesh(core_axis_name="c", subcore_axis_name="s")
    cp = pltpu.CompilerParams()
    if "needs_layout_passes" in pltpu.CompilerParams.__dataclass_fields__:
        cp = dataclasses.replace(cp, needs_layout_passes=False)

    @functools.partial(
        pl.kernel,
        mesh=mesh,
        compiler_params=cp,
        out_type=[
            jax.ShapeDtypeStruct((NW, K), jnp.float32),
            jax.ShapeDtypeStruct((NW, K), jnp.float32),
            jax.ShapeDtypeStruct((NW, K), jnp.float32),
        ],
        scratch_types=[
            pltpu.VMEM((chunk,), jnp.int32),
            pltpu.VMEM((chunk,), jnp.float32),
            pltpu.VMEM((L, K), jnp.float32),
            pltpu.VMEM((L, K), jnp.float32),
            pltpu.VMEM((L, K), jnp.float32),
        ],
    )
    def seg(idx_hbm, dmin_hbm, osum, omax, ocnt, iv_ref, dv_ref,
            asum, amax, acnt):
        wid = lax.axis_index("c") * 16 + lax.axis_index("s")
        base = wid * chunk
        pltpu.sync_copy(idx_hbm.at[pl.ds(base, chunk)], iv_ref)
        pltpu.sync_copy(dmin_hbm.at[pl.ds(base, chunk)], dv_ref)

        zero = jnp.zeros((L,), jnp.float32)
        for l in range(L):
            @pl.loop(0, K, step=L)
            def _z(j, l=l):
                asum[l, pl.ds(j, L)] = zero
                amax[l, pl.ds(j, L)] = zero
                acnt[l, pl.ds(j, L)] = zero

        lane = lax.iota(jnp.int32, L)
        one = jnp.ones((L,), jnp.float32)

        @pl.loop(0, chunk, step=L)
        def _acc(g):
            iv = iv_ref[pl.ds(g, L)]
            dv = dv_ref[pl.ds(g, L)]
            plsc.addupdate_scatter(asum, [lane, iv], dv)
            plsc.addupdate_scatter(acnt, [lane, iv], one)
            cur = plsc.load_gather(amax, [lane, iv])
            plsc.store_scatter(amax, [lane, iv], jnp.maximum(cur, dv))

        @pl.loop(0, K, step=L)
        def _fold(j):
            s = asum[0, pl.ds(j, L)]
            m = amax[0, pl.ds(j, L)]
            c = acnt[0, pl.ds(j, L)]
            for l in range(1, L):
                s = s + asum[l, pl.ds(j, L)]
                m = jnp.maximum(m, amax[l, pl.ds(j, L)])
                c = c + acnt[l, pl.ds(j, L)]
            asum[0, pl.ds(j, L)] = s
            amax[0, pl.ds(j, L)] = m
            acnt[0, pl.ds(j, L)] = c

        pltpu.sync_copy(asum.at[0], osum.at[wid])
        pltpu.sync_copy(amax.at[0], omax.at[wid])
        pltpu.sync_copy(acnt.at[0], ocnt.at[wid])

    return seg(idx, dmin)


def _fin_body(K, s1, m1, c1, o1, o2, o3):
    sum_k = jnp.sum(s1[...], axis=0, keepdims=True)
    max_k = jnp.max(m1[...], axis=0, keepdims=True)
    cnt_k = jnp.sum(c1[...], axis=0, keepdims=True)
    o1[...] = jnp.sum(sum_k / (cnt_k + 1.0), axis=1, keepdims=True) / K
    o2[...] = jnp.sum(max_k, axis=1, keepdims=True) / K
    o3[...] = jnp.sum(cnt_k, axis=1, keepdims=True) / K


def _tc_finalize(p1):
    K = p1[0].shape[1]
    body = functools.partial(_fin_body, K)
    outs = pl.pallas_call(
        body,
        out_shape=[jax.ShapeDtypeStruct((1, 1), jnp.float32)] * 3,
    )(p1[0], p1[1], p1[2])
    return outs[0][0, 0], outs[1][0, 0], outs[2][0, 0]


def kernel(embeddings, centroids):
    N, d = embeddings.shape
    K = centroids.shape[0]
    Ea = jnp.pad(embeddings, ((0, 0), (0, 1)), constant_values=1.0).T
    idx, dmin = _tc_distances(Ea, centroids, 0, N)
    psum, pmax, pcnt = _sc_segment_reduce(idx, dmin, K)
    return _tc_finalize((psum, pmax, pcnt))

# --- scband reference (transcript-rebuilt; emitter-appended) ---
"""Pipeline reference for scband-in-clusterisation-loss-21930103013689 (READ-ONLY COPY).

The authoritative reference and input builder live on the scoring server;
editing this copy changes nothing except your own understanding.
"""

import jax, jax.numpy as jnp
import numpy as np

_EPS = 1e-6

def outer_pairwise_distance(A, B):
    # Faithful to torch.pairwise_distance(x1, x2): ||x1 - x2 + eps||_2 with eps=1e-6.
    # Computed via expanded quadratic form to avoid materializing (K, N, d):
    # ||a - b + eps||^2 = ||a||^2 + ||b||^2 - 2 a.b + 2*eps*(sum(a) - sum(b)) + d*eps^2
    d = A.shape[1]
    a2 = jnp.sum(A * A, axis=1)
    b2 = jnp.sum(B * B, axis=1)
    ab = A @ B.T
    sa = jnp.sum(A, axis=1)
    sb = jnp.sum(B, axis=1)
    sq = (a2[:, None] + b2[None, :] - 2.0 * ab
          + 2.0 * _EPS * (sa[:, None] - sb[None, :]) + d * _EPS * _EPS)
    return jnp.sqrt(jnp.maximum(sq, 0.0))

def setup_inputs(seed: int = 0) -> dict:
    key = jax.random.key(seed)
    k1, k2 = jax.random.split(key)
    embeddings = jax.random.normal(k1, (65536, 64), dtype=jnp.float32)
    centroids = jax.random.normal(k2, (1024, 64), dtype=jnp.float32)
    return {"embeddings": embeddings, "centroids": centroids}

def reference(embeddings, centroids):
    N = embeddings.shape[0]
    K = centroids.shape[0]
    centers = centroids
    D = outer_pairwise_distance(centers, embeddings)  # (K, N)
    centr_idx = jax.lax.stop_gradient(jnp.argmin(D, axis=0))  # (N,), detached
    centr_mask = (centr_idx[None, :] == jnp.arange(K)[:, None]).astype(jnp.int32)  # (K, N)
    weights = centr_mask.sum(-1) + 1  # (K,)
    Dmasked = D * centr_mask
    in_cluster_dist = jnp.sum(Dmasked.sum(-1) / weights) / K
    centroids_radius = jnp.max(Dmasked, axis=-1).mean()
    centroids_elements_count = centr_mask.sum(-1).astype(jnp.float32).mean()
    return (in_cluster_dist, centroids_radius, centroids_elements_count)

if __name__ == "__main__":
    import jax
    _d = setup_inputs()
    print(jax.jit(kernel)(*tuple(_d.values())))

</pallas_src>

<mosaic_0001>
#map = affine_map<(d0, d1) -> (0)>
#map1 = affine_map<(d0, d1) -> (0, 0)>
module attributes {stable_mosaic.version = 14 : i64} {
  func.func @seg(%arg0: i32, %arg1: i32, %arg2: memref<65536xi32, #tpu.memory_space<hbm>>, %arg3: memref<65536xf32, #tpu.memory_space<hbm>>, %arg4: memref<32x1024xf32, #tpu.memory_space<hbm>>, %arg5: memref<32x1024xf32, #tpu.memory_space<hbm>>, %arg6: memref<32x1024xf32, #tpu.memory_space<hbm>>, %arg7: memref<2048xi32, #tpu.memory_space<vmem>>, %arg8: memref<2048xf32, #tpu.memory_space<vmem>>, %arg9: memref<16x1024xf32, #tpu.memory_space<vmem>>, %arg10: memref<16x1024xf32, #tpu.memory_space<vmem>>, %arg11: memref<16x1024xf32, #tpu.memory_space<vmem>>) attributes {dimension_semantics = [#tpu.dimension_semantics<core_parallel>, #tpu.dimension_semantics<subcore_parallel>], iteration_bounds = array<i64: 2, 16>, scalar_prefetch = 0 : i64, scratch_operands = 5 : i64, tpu.core_type = #tpu.core_type<sc_vector_subcore>, window_params = [{transform_indices = #map}, {transform_indices = #map}, {transform_indices = #map1}, {transform_indices = #map1}, {transform_indices = #map1}]} {
    %mul3A = arith.constant 16 : i32
    %mul3A_0 = arith.muli %arg0, %mul3A : i32
    %add3A = arith.addi %mul3A_0, %arg1 : i32
    %mul3A_1 = arith.constant 2048 : i32
    %mul3A_2 = arith.muli %add3A, %mul3A_1 : i32
    "tpu.region"() ({
      %run_scoped3A_97 = tpu.sem_alloc : memref<!tpu.dma_semaphore, #tpu.memory_space<semaphore_mem>>
      %dma_start3A = tpu.memref_slice %arg2[%mul3A_2] : memref<65536xi32, #tpu.memory_space<hbm>> -> memref<2048xi32, #tpu.memory_space<hbm>>
      %dma_start3A_98 = tpu.memref_slice %arg2[%mul3A_2] : memref<65536xi32, #tpu.memory_space<hbm>> -> memref<2048xi32, #tpu.memory_space<hbm>>
      tpu.enqueue_dma source(%dma_start3A_98 : memref<2048xi32, #tpu.memory_space<hbm>>) target(%arg7 : memref<2048xi32, #tpu.memory_space<vmem>>) target_semaphore(%run_scoped3A_97 : memref<!tpu.dma_semaphore, #tpu.memory_space<semaphore_mem>>)
      %dma_wait3A = tpu.memref_slice %arg2[%mul3A_2] : memref<65536xi32, #tpu.memory_space<hbm>> -> memref<2048xi32, #tpu.memory_space<hbm>>
      %dma_wait3A_99 = tpu.memref_slice %arg2[%mul3A_2] : memref<65536xi32, #tpu.memory_space<hbm>> -> memref<2048xi32, #tpu.memory_space<hbm>>
      tpu.wait_dma2 semaphore(%run_scoped3A_97 : memref<!tpu.dma_semaphore, #tpu.memory_space<semaphore_mem>>) src(%dma_wait3A_99 : memref<2048xi32, #tpu.memory_space<hbm>>) dst(%arg7 : memref<2048xi32, #tpu.memory_space<vmem>>)
      tpu.yield
    }) : () -> ()
    "tpu.region"() ({
      %run_scoped3A_97 = tpu.sem_alloc : memref<!tpu.dma_semaphore, #tpu.memory_space<semaphore_mem>>
      %dma_start3A = tpu.memref_slice %arg3[%mul3A_2] : memref<65536xf32, #tpu.memory_space<hbm>> -> memref<2048xf32, #tpu.memory_space<hbm>>
      %dma_start3A_98 = tpu.memref_slice %arg3[%mul3A_2] : memref<65536xf32, #tpu.memory_space<hbm>> -> memref<2048xf32, #tpu.memory_space<hbm>>
      tpu.enqueue_dma source(%dma_start3A_98 : memref<2048xf32, #tpu.memory_space<hbm>>) target(%arg8 : memref<2048xf32, #tpu.memory_space<vmem>>) target_semaphore(%run_scoped3A_97 : memref<!tpu.dma_semaphore, #tpu.memory_space<semaphore_mem>>)
      %dma_wait3A = tpu.memref_slice %arg3[%mul3A_2] : memref<65536xf32, #tpu.memory_space<hbm>> -> memref<2048xf32, #tpu.memory_space<hbm>>
      %dma_wait3A_99 = tpu.memref_slice %arg3[%mul3A_2] : memref<65536xf32, #tpu.memory_space<hbm>> -> memref<2048xf32, #tpu.memory_space<hbm>>
      tpu.wait_dma2 semaphore(%run_scoped3A_97 : memref<!tpu.dma_semaphore, #tpu.memory_space<semaphore_mem>>) src(%dma_wait3A_99 : memref<2048xf32, #tpu.memory_space<hbm>>) dst(%arg8 : memref<2048xf32, #tpu.memory_space<vmem>>)
      tpu.yield
    }) : () -> ()
    %broadcast_in_dim3A = arith.constant 0.000000e+00 : f32
    %broadcast_in_dim3A_3 = vector.broadcast %broadcast_in_dim3A : f32 to vector<16xf32>
    %scan3A = arith.constant 0 : i32
    %scan3A_4 = arith.constant 64 : i32
    %scan3A_5 = arith.addi %scan3A, %scan3A_4 : i32
    %scan3A_6 = arith.constant 1 : i32
    scf.for %scan3A_97 = %scan3A to %scan3A_5 step %scan3A_6  : i32 {
      %mul3A_98 = arith.constant 16 : i32
      %mul3A_99 = arith.muli %scan3A_97, %mul3A_98 : i32
      %add3A_100 = arith.constant 0 : i32
      %add3A_101 = arith.addi %add3A_100, %mul3A_99 : i32
      %swap3A = arith.constant 0 : i32
      %swap3A_102 = arith.index_cast %swap3A : i32 to index
      %swap3A_103 = arith.index_cast %add3A_101 : i32 to index
      %swap3A_104 = tpu.vector_load %arg9[%swap3A_102, %swap3A_103] {strides = array<i32>} : memref<16x1024xf32, #tpu.memory_space<vmem>>, vector<16xf32>,
      tpu.vector_store %arg9[%swap3A_102, %swap3A_103], %broadcast_in_dim3A_3 {strides = array<i32>} : memref<16x1024xf32, #tpu.memory_space<vmem>>, vector<16xf32>,
      %swap3A_105 = arith.constant 0 : i32
      %swap3A_106 = arith.index_cast %swap3A_105 : i32 to index
      %swap3A_107 = arith.index_cast %add3A_101 : i32 to index
      %swap3A_108 = tpu.vector_load %arg10[%swap3A_106, %swap3A_107] {strides = array<i32>} : memref<16x1024xf32, #tpu.memory_space<vmem>>, vector<16xf32>,
      tpu.vector_store %arg10[%swap3A_106, %swap3A_107], %broadcast_in_dim3A_3 {strides = array<i32>} : memref<16x1024xf32, #tpu.memory_space<vmem>>, vector<16xf32>,
      %swap3A_109 = arith.constant 0 : i32
      %swap3A_110 = arith.index_cast %swap3A_109 : i32 to index
      %swap3A_111 = arith.index_cast %add3A_101 : i32 to index
      %swap3A_112 = tpu.vector_load %arg11[%swap3A_110, %swap3A_111] {strides = array<i32>} : memref<16x1024xf32, #tpu.memory_space<vmem>>, vector<16xf32>,
      tpu.vector_store %arg11[%swap3A_110, %swap3A_111], %broadcast_in_dim3A_3 {strides = array<i32>} : memref<16x1024xf32, #tpu.memory_space<vmem>>, vector<16xf32>,
    }
    %scan3A_7 = arith.constant 64 : i32
    %scan3A_8 = arith.constant 0 : i32
    %scan3A_9 = arith.constant 64 : i32
    %scan3A_10 = arith.addi %scan3A_8, %scan3A_9 : i32
    %scan3A_11 = arith.constant 1 : i32
    scf.for %scan3A_97 = %scan3A_8 to %scan3A_10 step %scan3A_11  : i32 {
      %mul3A_98 = arith.constant 16 : i32
      %mul3A_99 = arith.muli %scan3A_97, %mul3A_98 : i32
      %add3A_100 = arith.constant 0 : i32
      %add3A_101 = arith.addi %add3A_100, %mul3A_99 : i32
      %swap3A = arith.constant 1 : i32
      %swap3A_102 = arith.index_cast %swap3A : i32 to index
      %swap3A_103 = arith.index_cast %add3A_101 : i32 to index
      %swap3A_104 = tpu.vector_load %arg9[%swap3A_102, %swap3A_103] {strides = array<i32>} : memref<16x1024xf32, #tpu.memory_space<vmem>>, vector<16xf32>,
      tpu.vector_store %arg9[%swap3A_102, %swap3A_103], %broadcast_in_dim3A_3 {strides = array<i32>} : memref<16x1024xf32, #tpu.memory_space<vmem>>, vector<16xf32>,
      %swap3A_105 = arith.constant 1 : i32
      %swap3A_106 = arith.index_cast %swap3A_105 : i32 to index
      %swap3A_107 = arith.index_cast %add3A_101 : i32 to index
      %swap3A_108 = tpu.vector_load %arg10[%swap3A_106, %swap3A_107] {strides = array<i32>} : memref<16x1024xf32, #tpu.memory_space<vmem>>, vector<16xf32>,
      tpu.vector_store %arg10[%swap3A_106, %swap3A_107], %broadcast_in_dim3A_3 {strides = array<i32>} : memref<16x1024xf32, #tpu.memory_space<vmem>>, vector<16xf32>,
      %swap3A_109 = arith.constant 1 : i32
      %swap3A_110 = arith.index_cast %swap3A_109 : i32 to index
      %swap3A_111 = arith.index_cast %add3A_101 : i32 to index
      %swap3A_112 = tpu.vector_load %arg11[%swap3A_110, %swap3A_111] {strides = array<i32>} : memref<16x1024xf32, #tpu.memory_space<vmem>>, vector<16xf32>,
      tpu.vector_store %arg11[%swap3A_110, %swap3A_111], %broadcast_in_dim3A_3 {strides = array<i32>} : memref<16x1024xf32, #tpu.memory_space<vmem>>, vector<16xf32>,
    }
    %scan3A_12 = arith.constant 64 : i32
    %scan3A_13 = arith.constant 0 : i32
    %scan3A_14 = arith.constant 64 : i32
    %scan3A_15 = arith.addi %scan3A_13, %scan3A_14 : i32
    %scan3A_16 = arith.constant 1 : i32
    scf.for %scan3A_97 = %scan3A_13 to %scan3A_15 step %scan3A_16  : i32 {
      %mul3A_98 = arith.constant 16 : i32
      %mul3A_99 = arith.muli %scan3A_97, %mul3A_98 : i32
      %add3A_100 = arith.constant 0 : i32
      %add3A_101 = arith.addi %add3A_100, %mul3A_99 : i32
      %swap3A = arith.constant 2 : i32
      %swap3A_102 = arith.index_cast %swap3A : i32 to index
      %swap3A_103 = arith.index_cast %add3A_101 : i32 to index
      %swap3A_104 = tpu.vector_load %arg9[%swap3A_102, %swap3A_103] {strides = array<i32>} : memref<16x1024xf32, #tpu.memory_space<vmem>>, vector<16xf32>,
      tpu.vector_store %arg9[%swap3A_102, %swap3A_103], %broadcast_in_dim3A_3 {strides = array<i32>} : memref<16x1024xf32, #tpu.memory_space<vmem>>, vector<16xf32>,
      %swap3A_105 = arith.constant 2 : i32
      %swap3A_106 = arith.index_cast %swap3A_105 : i32 to index
      %swap3A_107 = arith.index_cast %add3A_101 : i32 to index
      %swap3A_108 = tpu.vector_load %arg10[%swap3A_106, %swap3A_107] {strides = array<i32>} : memref<16x1024xf32, #tpu.memory_space<vmem>>, vector<16xf32>,
      tpu.vector_store %arg10[%swap3A_106, %swap3A_107], %broadcast_in_dim3A_3 {strides = array<i32>} : memref<16x1024xf32, #tpu.memory_space<vmem>>, vector<16xf32>,
      %swap3A_109 = arith.constant 2 : i32
      %swap3A_110 = arith.index_cast %swap3A_109 : i32 to index
      %swap3A_111 = arith.index_cast %add3A_101 : i32 to index
      %swap3A_112 = tpu.vector_load %arg11[%swap3A_110, %swap3A_111] {strides = array<i32>} : memref<16x1024xf32, #tpu.memory_space<vmem>>, vector<16xf32>,
      tpu.vector_store %arg11[%swap3A_110, %swap3A_111], %broadcast_in_dim3A_3 {strides = array<i32>} : memref<16x1024xf32, #tpu.memory_space<vmem>>, vector<16xf32>,
    }
    %scan3A_17 = arith.constant 64 : i32
    %scan3A_18 = arith.constant 0 : i32
    %scan3A_19 = arith.constant 64 : i32
    %scan3A_20 = arith.addi %scan3A_18, %scan3A_19 : i32
    %scan3A_21 = arith.constant 1 : i32
    scf.for %scan3A_97 = %scan3A_18 to %scan3A_20 step %scan3A_21  : i32 {
      %mul3A_98 = arith.constant 16 : i32
      %mul3A_99 = arith.muli %scan3A_97, %mul3A_98 : i32
      %add3A_100 = arith.constant 0 : i32
      %add3A_101 = arith.addi %add3A_100, %mul3A_99 : i32
      %swap3A = arith.constant 3 : i32
      %swap3A_102 = arith.index_cast %swap3A : i32 to index
      %swap3A_103 = arith.index_cast %add3A_101 : i32 to index
      %swap3A_104 = tpu.vector_load %arg9[%swap3A_102, %swap3A_103] {strides = array<i32>} : memref<16x1024xf32, #tpu.memory_space<vmem>>, vector<16xf32>,
      tpu.vector_store %arg9[%swap3A_102, %swap3A_103], %broadcast_in_dim3A_3 {strides = array<i32>} : memref<16x1024xf32, #tpu.memory_space<vmem>>, vector<16xf32>,
      %swap3A_105 = arith.constant 3 : i32
      %swap3A_106 = arith.index_cast %swap3A_105 : i32 to index
      %swap3A_107 = arith.index_cast %add3A_101 : i32 to index
      %swap3A_108 = tpu.vector_load %arg10[%swap3A_106, %swap3A_107] {strides = array<i32>} : memref<16x1024xf32, #tpu.memory_space<vmem>>, vector<16xf32>,
      tpu.vector_store %arg10[%swap3A_106, %swap3A_107], %broadcast_in_dim3A_3 {strides = array<i32>} : memref<16x1024xf32, #tpu.memory_space<vmem>>, vector<16xf32>,
      %swap3A_109 = arith.constant 3 : i32
      %swap3A_110 = arith.index_cast %swap3A_109 : i32 to index
      %swap3A_111 = arith.index_cast %add3A_101 : i32 to index
      %swap3A_112 = tpu.vector_load %arg11[%swap3A_110, %swap3A_111] {strides = array<i32>} : memref<16x1024xf32, #tpu.memory_space<vmem>>, vector<16xf32>,
      tpu.vector_store %arg11[%swap3A_110, %swap3A_111], %broadcast_in_dim3A_3 {strides = array<i32>} : memref<16x1024xf32, #tpu.memory_space<vmem>>, vector<16xf32>,
    }
    %scan3A_22 = arith.constant 64 : i32
    %scan3A_23 = arith.constant 0 : i32
    %scan3A_24 = arith.constant 64 : i32
    %scan3A_25 = arith.addi %scan3A_23, %scan3A_24 : i32
    %scan3A_26 = arith.constant 1 : i32
    scf.for %scan3A_97 = %scan3A_23 to %scan3A_25 step %scan3A_26  : i32 {
      %mul3A_98 = arith.constant 16 : i32
      %mul3A_99 = arith.muli %scan3A_97, %mul3A_98 : i32
      %add3A_100 = arith.constant 0 : i32
      %add3A_101 = arith.addi %add3A_100, %mul3A_99 : i32
      %swap3A = arith.constant 4 : i32
      %swap3A_102 = arith.index_cast %swap3A : i32 to index
      %swap3A_103 = arith.index_cast %add3A_101 : i32 to index
      %swap3A_104 = tpu.vector_load %arg9[%swap3A_102, %swap3A_103] {strides = array<i32>} : memref<16x1024xf32, #tpu.memory_space<vmem>>, vector<16xf32>,
      tpu.vector_store %arg9[%swap3A_102, %swap3A_103], %broadcast_in_dim3A_3 {strides = array<i32>} : memref<16x1024xf32, #tpu.memory_space<vmem>>, vector<16xf32>,
      %swap3A_105 = arith.constant 4 : i32
      %swap3A_106 = arith.index_cast %swap3A_105 : i32 to index
      %swap3A_107 = arith.index_cast %add3A_101 : i32 to index
      %swap3A_108 = tpu.vector_load %arg10[%swap3A_106, %swap3A_107] {strides = array<i32>} : memref<16x1024xf32, #tpu.memory_space<vmem>>, vector<16xf32>,
      tpu.vector_store %arg10[%swap3A_106, %swap3A_107], %broadcast_in_dim3A_3 {strides = array<i32>} : memref<16x1024xf32, #tpu.memory_space<vmem>>, vector<16xf32>,
      %swap3A_109 = arith.constant 4 : i32
      %swap3A_110 = arith.index_cast %swap3A_109 : i32 to index
      %swap3A_111 = arith.index_cast %add3A_101 : i32 to index
      %swap3A_112 = tpu.vector_load %arg11[%swap3A_110, %swap3A_111] {strides = array<i32>} : memref<16x1024xf32, #tpu.memory_space<vmem>>, vector<16xf32>,
      tpu.vector_store %arg11[%swap3A_110, %swap3A_111], %broadcast_in_dim3A_3 {strides = array<i32>} : memref<16x1024xf32, #tpu.memory_space<vmem>>, vector<16xf32>,
    }
    %scan3A_27 = arith.constant 64 : i32
    %scan3A_28 = arith.constant 0 : i32
    %scan3A_29 = arith.constant 64 : i32
    %scan3A_30 = arith.addi %scan3A_28, %scan3A_29 : i32
    %scan3A_31 = arith.constant 1 : i32
    scf.for %scan3A_97 = %scan3A_28 to %scan3A_30 step %scan3A_31  : i32 {
      %mul3A_98 = arith.constant 16 : i32
      %mul3A_99 = arith.muli %scan3A_97, %mul3A_98 : i32
      %add3A_100 = arith.constant 0 : i32
      %add3A_101 = arith.addi %add3A_100, %mul3A_99 : i32
      %swap3A = arith.constant 5 : i32
      %swap3A_102 = arith.index_cast %swap3A : i32 to index
      %swap3A_103 = arith.index_cast %add3A_101 : i32 to index
      %swap3A_104 = tpu.vector_load %arg9[%swap3A_102, %swap3A_103] {strides = array<i32>} : memref<16x1024xf32, #tpu.memory_space<vmem>>, vector<16xf32>,
      tpu.vector_store %arg9[%swap3A_102, %swap3A_103], %broadcast_in_dim3A_3 {strides = array<i32>} : memref<16x1024xf32, #tpu.memory_space<vmem>>, vector<16xf32>,
      %swap3A_105 = arith.constant 5 : i32
      %swap3A_106 = arith.index_cast %swap3A_105 : i32 to index
      %swap3A_107 = arith.index_cast %add3A_101 : i32 to index
      %swap3A_108 = tpu.vector_load %arg10[%swap3A_106, %swap3A_107] {strides = array<i32>} : memref<16x1024xf32, #tpu.memory_space<vmem>>, vector<16xf32>,
      tpu.vector_store %arg10[%swap3A_106, %swap3A_107], %broadcast_in_dim3A_3 {strides = array<i32>} : memref<16x1024xf32, #tpu.memory_space<vmem>>, vector<16xf32>,
      %swap3A_109 = arith.constant 5 : i32
      %swap3A_110 = arith.index_cast %swap3A_109 : i32 to index
      %swap3A_111 = arith.index_cast %add3A_101 : i32 to index
      %swap3A_112 = tpu.vector_load %arg11[%swap3A_110, %swap3A_111] {strides = array<i32>} : memref<16x1024xf32, #tpu.memory_space<vmem>>, vector<16xf32>,
      tpu.vector_store %arg11[%swap3A_110, %swap3A_111], %broadcast_in_dim3A_3 {strides = array<i32>} : memref<16x1024xf32, #tpu.memory_space<vmem>>, vector<16xf32>,
    }
    %scan3A_32 = arith.constant 64 : i32
    %scan3A_33 = arith.constant 0 : i32
    %scan3A_34 = arith.constant 64 : i32
    %scan3A_35 = arith.addi %scan3A_33, %scan3A_34 : i32
    %scan3A_36 = arith.constant 1 : i32
    scf.for %scan3A_97 = %scan3A_33 to %scan3A_35 step %scan3A_36  : i32 {
      %mul3A_98 = arith.constant 16 : i32
      %mul3A_99 = arith.muli %scan3A_97, %mul3A_98 : i32
      %add3A_100 = arith.constant 0 : i32
      %add3A_101 = arith.addi %add3A_100, %mul3A_99 : i32
      %swap3A = arith.constant 6 : i32
      %swap3A_102 = arith.index_cast %swap3A : i32 to index
      %swap3A_103 = arith.index_cast %add3A_101 : i32 to index
      %swap3A_104 = tpu.vector_load %arg9[%swap3A_102, %swap3A_103] {strides = array<i32>} : memref<16x1024xf32, #tpu.memory_space<vmem>>, vector<16xf32>,
      tpu.vector_store %arg9[%swap3A_102, %swap3A_103], %broadcast_in_dim3A_3 {strides = array<i32>} : memref<16x1024xf32, #tpu.memory_space<vmem>>, vector<16xf32>,
      %swap3A_105 = arith.constant 6 : i32
      %swap3A_106 = arith.index_cast %swap3A_105 : i32 to index
      %swap3A_107 = arith.index_cast %add3A_101 : i32 to index
      %swap3A_108 = tpu.vector_load %arg10[%swap3A_106, %swap3A_107] {strides = array<i32>} : memref<16x1024xf32, #tpu.memory_space<vmem>>, vector<16xf32>,
      tpu.vector_store %arg10[%swap3A_106, %swap3A_107], %broadcast_in_dim3A_3 {strides = array<i32>} : memref<16x1024xf32, #tpu.memory_space<vmem>>, vector<16xf32>,
      %swap3A_109 = arith.constant 6 : i32
      %swap3A_110 = arith.index_cast %swap3A_109 : i32 to index
      %swap3A_111 = arith.index_cast %add3A_101 : i32 to index
      %swap3A_112 = tpu.vector_load %arg11[%swap3A_110, %swap3A_111] {strides = array<i32>} : memref<16x1024xf32, #tpu.memory_space<vmem>>, vector<16xf32>,
      tpu.vector_store %arg11[%swap3A_110, %swap3A_111], %broadcast_in_dim3A_3 {strides = array<i32>} : memref<16x1024xf32, #tpu.memory_space<vmem>>, vector<16xf32>,
    }
    %scan3A_37 = arith.constant 64 : i32
    %scan3A_38 = arith.constant 0 : i32
    %scan3A_39 = arith.constant 64 : i32
    %scan3A_40 = arith.addi %scan3A_38, %scan3A_39 : i32
    %scan3A_41 = arith.constant 1 : i32
    scf.for %scan3A_97 = %scan3A_38 to %scan3A_40 step %scan3A_41  : i32 {
      %mul3A_98 = arith.constant 16 : i32
      %mul3A_99 = arith.muli %scan3A_97, %mul3A_98 : i32
      %add3A_100 = arith.constant 0 : i32
      %add3A_101 = arith.addi %add3A_100, %mul3A_99 : i32
      %swap3A = arith.constant 7 : i32
      %swap3A_102 = arith.index_cast %swap3A : i32 to index
      %swap3A_103 = arith.index_cast %add3A_101 : i32 to index
      %swap3A_104 = tpu.vector_load %arg9[%swap3A_102, %swap3A_103] {strides = array<i32>} : memref<16x1024xf32, #tpu.memory_space<vmem>>, vector<16xf32>,
      tpu.vector_store %arg9[%swap3A_102, %swap3A_103], %broadcast_in_dim3A_3 {strides = array<i32>} : memref<16x1024xf32, #tpu.memory_space<vmem>>, vector<16xf32>,
      %swap3A_105 = arith.constant 7 : i32
      %swap3A_106 = arith.index_cast %swap3A_105 : i32 to index
      %swap3A_107 = arith.index_cast %add3A_101 : i32 to index
      %swap3A_108 = tpu.vector_load %arg10[%swap3A_106, %swap3A_107] {strides = array<i32>} : memref<16x1024xf32, #tpu.memory_space<vmem>>, vector<16xf32>,
      tpu.vector_store %arg10[%swap3A_106, %swap3A_107], %broadcast_in_dim3A_3 {strides = array<i32>} : memref<16x1024xf32, #tpu.memory_space<vmem>>, vector<16xf32>,
      %swap3A_109 = arith.constant 7 : i32
      %swap3A_110 = arith.index_cast %swap3A_109 : i32 to index
      %swap3A_111 = arith.index_cast %add3A_101 : i32 to index
      %swap3A_112 = tpu.vector_load %arg11[%swap3A_110, %swap3A_111] {strides = array<i32>} : memref<16x1024xf32, #tpu.memory_space<vmem>>, vector<16xf32>,
      tpu.vector_store %arg11[%swap3A_110, %swap3A_111], %broadcast_in_dim3A_3 {strides = array<i32>} : memref<16x1024xf32, #tpu.memory_space<vmem>>, vector<16xf32>,
    }
    %scan3A_42 = arith.constant 64 : i32
    %scan3A_43 = arith.constant 0 : i32
    %scan3A_44 = arith.constant 64 : i32
    %scan3A_45 = arith.addi %scan3A_43, %scan3A_44 : i32
    %scan3A_46 = arith.constant 1 : i32
    scf.for %scan3A_97 = %scan3A_43 to %scan3A_45 step %scan3A_46  : i32 {
      %mul3A_98 = arith.constant 16 : i32
      %mul3A_99 = arith.muli %scan3A_97, %mul3A_98 : i32
      %add3A_100 = arith.constant 0 : i32
      %add3A_101 = arith.addi %add3A_100, %mul3A_99 : i32
      %swap3A = arith.constant 8 : i32
      %swap3A_102 = arith.index_cast %swap3A : i32 to index
      %swap3A_103 = arith.index_cast %add3A_101 : i32 to index
      %swap3A_104 = tpu.vector_load %arg9[%swap3A_102, %swap3A_103] {strides = array<i32>} : memref<16x1024xf32, #tpu.memory_space<vmem>>, vector<16xf32>,
      tpu.vector_store %arg9[%swap3A_102, %swap3A_103], %broadcast_in_dim3A_3 {strides = array<i32>} : memref<16x1024xf32, #tpu.memory_space<vmem>>, vector<16xf32>,
      %swap3A_105 = arith.constant 8 : i32
      %swap3A_106 = arith.index_cast %swap3A_105 : i32 to index
      %swap3A_107 = arith.index_cast %add3A_101 : i32 to index
      %swap3A_108 = tpu.vector_load %arg10[%swap3A_106, %swap3A_107] {strides = array<i32>} : memref<16x1024xf32, #tpu.memory_space<vmem>>, vector<16xf32>,
      tpu.vector_store %arg10[%swap3A_106, %swap3A_107], %broadcast_in_dim3A_3 {strides = array<i32>} : memref<16x1024xf32, #tpu.memory_space<vmem>>, vector<16xf32>,
      %swap3A_109 = arith.constant 8 : i32
      %swap3A_110 = arith.index_cast %swap3A_109 : i32 to index
      %swap3A_111 = arith.index_cast %add3A_101 : i32 to index
      %swap3A_112 = tpu.vector_load %arg11[%swap3A_110, %swap3A_111] {strides = array<i32>} : memref<16x1024xf32, #tpu.memory_space<vmem>>, vector<16xf32>,
      tpu.vector_store %arg11[%swap3A_110, %swap3A_111], %broadcast_in_dim3A_3 {strides = array<i32>} : memref<16x1024xf32, #tpu.memory_space<vmem>>, vector<16xf32>,
    }
    %scan3A_47 = arith.constant 64 : i32
    %scan3A_48 = arith.constant 0 : i32
    %scan3A_49 = arith.constant 64 : i32
    %scan3A_50 = arith.addi %scan3A_48, %scan3A_49 : i32
    %scan3A_51 = arith.constant 1 : i32
    scf.for %scan3A_97 = %scan3A_48 to %scan3A_50 step %scan3A_51  : i32 {
      %mul3A_98 = arith.constant 16 : i32
      %mul3A_99 = arith.muli %scan3A_97, %mul3A_98 : i32
      %add3A_100 = arith.constant 0 : i32
      %add3A_101 = arith.addi %add3A_100, %mul3A_99 : i32
      %swap3A = arith.constant 9 : i32
      %swap3A_102 = arith.index_cast %swap3A : i32 to index
      %swap3A_103 = arith.index_cast %add3A_101 : i32 to index
      %swap3A_104 = tpu.vector_load %arg9[%swap3A_102, %swap3A_103] {strides = array<i32>} : memref<16x1024xf32, #tpu.memory_space<vmem>>, vector<16xf32>,
      tpu.vector_store %arg9[%swap3A_102, %swap3A_103], %broadcast_in_dim3A_3 {strides = array<i32>} : memref<16x1024xf32, #tpu.memory_space<vmem>>, vector<16xf32>,
      %swap3A_105 = arith.constant 9 : i32
      %swap3A_106 = arith.index_cast %swap3A_105 : i32 to index
      %swap3A_107 = arith.index_cast %add3A_101 : i32 to index
      %swap3A_108 = tpu.vector_load %arg10[%swap3A_106, %swap3A_107] {strides = array<i32>} : memref<16x1024xf32, #tpu.memory_space<vmem>>, vector<16xf32>,
      tpu.vector_store %arg10[%swap3A_106, %swap3A_107], %broadcast_in_dim3A_3 {strides = array<i32>} : memref<16x1024xf32, #tpu.memory_space<vmem>>, vector<16xf32>,
      %swap3A_109 = arith.constant 9 : i32
      %swap3A_110 = arith.index_cast %swap3A_109 : i32 to index
      %swap3A_111 = arith.index_cast %add3A_101 : i32 to index
      %swap3A_112 = tpu.vector_load %arg11[%swap3A_110, %swap3A_111] {strides = array<i32>} : memref<16x1024xf32, #tpu.memory_space<vmem>>, vector<16xf32>,
      tpu.vector_store %arg11[%swap3A_110, %swap3A_111], %broadcast_in_dim3A_3 {strides = array<i32>} : memref<16x1024xf32, #tpu.memory_space<vmem>>, vector<16xf32>,
    }
    %scan3A_52 = arith.constant 64 : i32
    %scan3A_53 = arith.constant 0 : i32
    %scan3A_54 = arith.constant 64 : i32
    %scan3A_55 = arith.addi %scan3A_53, %scan3A_54 : i32
    %scan3A_56 = arith.constant 1 : i32
    scf.for %scan3A_97 = %scan3A_53 to %scan3A_55 step %scan3A_56  : i32 {
      %mul3A_98 = arith.constant 16 : i32
      %mul3A_99 = arith.muli %scan3A_97, %mul3A_98 : i32
      %add3A_100 = arith.constant 0 : i32
      %add3A_101 = arith.addi %add3A_100, %mul3A_99 : i32
      %swap3A = arith.constant 10 : i32
      %swap3A_102 = arith.index_cast %swap3A : i32 to index
      %swap3A_103 = arith.index_cast %add3A_101 : i32 to index
      %swap3A_104 = tpu.vector_load %arg9[%swap3A_102, %swap3A_103] {strides = array<i32>} : memref<16x1024xf32, #tpu.memory_space<vmem>>, vector<16xf32>,
      tpu.vector_store %arg9[%swap3A_102, %swap3A_103], %broadcast_in_dim3A_3 {strides = array<i32>} : memref<16x1024xf32, #tpu.memory_space<vmem>>, vector<16xf32>,
      %swap3A_105 = arith.constant 10 : i32
      %swap3A_106 = arith.index_cast %swap3A_105 : i32 to index
      %swap3A_107 = arith.index_cast %add3A_101 : i32 to index
      %swap3A_108 = tpu.vector_load %arg10[%swap3A_106, %swap3A_107] {strides = array<i32>} : memref<16x1024xf32, #tpu.memory_space<vmem>>, vector<16xf32>,
      tpu.vector_store %arg10[%swap3A_106, %swap3A_107], %broadcast_in_dim3A_3 {strides = array<i32>} : memref<16x1024xf32, #tpu.memory_space<vmem>>, vector<16xf32>,
      %swap3A_109 = arith.constant 10 : i32
      %swap3A_110 = arith.index_cast %swap3A_109 : i32 to index
      %swap3A_111 = arith.index_cast %add3A_101 : i32 to index
      %swap3A_112 = tpu.vector_load %arg11[%swap3A_110, %swap3A_111] {strides = array<i32>} : memref<16x1024xf32, #tpu.memory_space<vmem>>, vector<16xf32>,
      tpu.vector_store %arg11[%swap3A_110, %swap3A_111], %broadcast_in_dim3A_3 {strides = array<i32>} : memref<16x1024xf32, #tpu.memory_space<vmem>>, vector<16xf32>,
    }
    %scan3A_57 = arith.constant 64 : i32
    %scan3A_58 = arith.constant 0 : i32
    %scan3A_59 = arith.constant 64 : i32
    %scan3A_60 = arith.addi %scan3A_58, %scan3A_59 : i32
    %scan3A_61 = arith.constant 1 : i32
    scf.for %scan3A_97 = %scan3A_58 to %scan3A_60 step %scan3A_61  : i32 {
      %mul3A_98 = arith.constant 16 : i32
      %mul3A_99 = arith.muli %scan3A_97, %mul3A_98 : i32
      %add3A_100 = arith.constant 0 : i32
      %add3A_101 = arith.addi %add3A_100, %mul3A_99 : i32
      %swap3A = arith.constant 11 : i32
      %swap3A_102 = arith.index_cast %swap3A : i32 to index
      %swap3A_103 = arith.index_cast %add3A_101 : i32 to index
      %swap3A_104 = tpu.vector_load %arg9[%swap3A_102, %swap3A_103] {strides = array<i32>} : memref<16x1024xf32, #tpu.memory_space<vmem>>, vector<16xf32>,
      tpu.vector_store %arg9[%swap3A_102, %swap3A_103], %broadcast_in_dim3A_3 {strides = array<i32>} : memref<16x1024xf32, #tpu.memory_space<vmem>>, vector<16xf32>,
      %swap3A_105 = arith.constant 11 : i32
      %swap3A_106 = arith.index_cast %swap3A_105 : i32 to index
      %swap3A_107 = arith.index_cast %add3A_101 : i32 to index
      %swap3A_108 = tpu.vector_load %arg10[%swap3A_106, %swap3A_107] {strides = array<i32>} : memref<16x1024xf32, #tpu.memory_space<vmem>>, vector<16xf32>,
      tpu.vector_store %arg10[%swap3A_106, %swap3A_107], %broadcast_in_dim3A_3 {strides = array<i32>} : memref<16x1024xf32, #tpu.memory_space<vmem>>, vector<16xf32>,
      %swap3A_109 = arith.constant 11 : i32
      %swap3A_110 = arith.index_cast %swap3A_109 : i32 to index
      %swap3A_111 = arith.index_cast %add3A_101 : i32 to index
      %swap3A_112 = tpu.vector_load %arg11[%swap3A_110, %swap3A_111] {strides = array<i32>} : memref<16x1024xf32, #tpu.memory_space<vmem>>, vector<16xf32>,
      tpu.vector_store %arg11[%swap3A_110, %swap3A_111], %broadcast_in_dim3A_3 {strides = array<i32>} : memref<16x1024xf32, #tpu.memory_space<vmem>>, vector<16xf32>,
    }
    %scan3A_62 = arith.constant 64 : i32
    %scan3A_63 = arith.constant 0 : i32
    %scan3A_64 = arith.constant 64 : i32
    %scan3A_65 = arith.addi %scan3A_63, %scan3A_64 : i32
    %scan3A_66 = arith.constant 1 : i32
    scf.for %scan3A_97 = %scan3A_63 to %scan3A_65 step %scan3A_66  : i32 {
      %mul3A_98 = arith.constant 16 : i32
      %mul3A_99 = arith.muli %scan3A_97, %mul3A_98 : i32
      %add3A_100 = arith.constant 0 : i32
      %add3A_101 = arith.addi %add3A_100, %mul3A_99 : i32
      %swap3A = arith.constant 12 : i32
      %swap3A_102 = arith.index_cast %swap3A : i32 to index
      %swap3A_103 = arith.index_cast %add3A_101 : i32 to index
      %swap3A_104 = tpu.vector_load %arg9[%swap3A_102, %swap3A_103] {strides = array<i32>} : memref<16x1024xf32, #tpu.memory_space<vmem>>, vector<16xf32>,
      tpu.vector_store %arg9[%swap3A_102, %swap3A_103], %broadcast_in_dim3A_3 {strides = array<i32>} : memref<16x1024xf32, #tpu.memory_space<vmem>>, vector<16xf32>,
      %swap3A_105 = arith.constant 12 : i32
      %swap3A_106 = arith.index_cast %swap3A_105 : i32 to index
      %swap3A_107 = arith.index_cast %add3A_101 : i32 to index
      %swap3A_108 = tpu.vector_load %arg10[%swap3A_106, %swap3A_107] {strides = array<i32>} : memref<16x1024xf32, #tpu.memory_space<vmem>>, vector<16xf32>,
      tpu.vector_store %arg10[%swap3A_106, %swap3A_107], %broadcast_in_dim3A_3 {strides = array<i32>} : memref<16x1024xf32, #tpu.memory_space<vmem>>, vector<16xf32>,
      %swap3A_109 = arith.constant 12 : i32
      %swap3A_110 = arith.index_cast %swap3A_109 : i32 to index
      %swap3A_111 = arith.index_cast %add3A_101 : i32 to index
      %swap3A_112 = tpu.vector_load %arg11[%swap3A_110, %swap3A_111] {strides = array<i32>} : memref<16x1024xf32, #tpu.memory_space<vmem>>, vector<16xf32>,
      tpu.vector_store %arg11[%swap3A_110, %swap3A_111], %broadcast_in_dim3A_3 {strides = array<i32>} : memref<16x1024xf32, #tpu.memory_space<vmem>>, vector<16xf32>,
    }
    %scan3A_67 = arith.constant 64 : i32
    %scan3A_68 = arith.constant 0 : i32
    %scan3A_69 = arith.constant 64 : i32
    %scan3A_70 = arith.addi %scan3A_68, %scan3A_69 : i32
    %scan3A_71 = arith.constant 1 : i32
    scf.for %scan3A_97 = %scan3A_68 to %scan3A_70 step %scan3A_71  : i32 {
      %mul3A_98 = arith.constant 16 : i32
      %mul3A_99 = arith.muli %scan3A_97, %mul3A_98 : i32
      %add3A_100 = arith.constant 0 : i32
      %add3A_101 = arith.addi %add3A_100, %mul3A_99 : i32
      %swap3A = arith.constant 13 : i32
      %swap3A_102 = arith.index_cast %swap3A : i32 to index
      %swap3A_103 = arith.index_cast %add3A_101 : i32 to index
      %swap3A_104 = tpu.vector_load %arg9[%swap3A_102, %swap3A_103] {strides = array<i32>} : memref<16x1024xf32, #tpu.memory_space<vmem>>, vector<16xf32>,
      tpu.vector_store %arg9[%swap3A_102, %swap3A_103], %broadcast_in_dim3A_3 {strides = array<i32>} : memref<16x1024xf32, #tpu.memory_space<vmem>>, vector<16xf32>,
      %swap3A_105 = arith.constant 13 : i32
      %swap3A_106 = arith.index_cast %swap3A_105 : i32 to index
      %swap3A_107 = arith.index_cast %add3A_101 : i32 to index
      %swap3A_108 = tpu.vector_load %arg10[%swap3A_106, %swap3A_107] {strides = array<i32>} : memref<16x1024xf32, #tpu.memory_space<vmem>>, vector<16xf32>,
      tpu.vector_store %arg10[%swap3A_106, %swap3A_107], %broadcast_in_dim3A_3 {strides = array<i32>} : memref<16x1024xf32, #tpu.memory_space<vmem>>, vector<16xf32>,
      %swap3A_109 = arith.constant 13 : i32
      %swap3A_110 = arith.index_cast %swap3A_109 : i32 to index
      %swap3A_111 = arith.index_cast %add3A_101 : i32 to index
      %swap3A_112 = tpu.vector_load %arg11[%swap3A_110, %swap3A_111] {strides = array<i32>} : memref<16x1024xf32, #tpu.memory_space<vmem>>, vector<16xf32>,
      tpu.vector_store %arg11[%swap3A_110, %swap3A_111], %broadcast_in_dim3A_3 {strides = array<i32>} : memref<16x1024xf32, #tpu.memory_space<vmem>>, vector<16xf32>,
    }
    %scan3A_72 = arith.constant 64 : i32
    %scan3A_73 = arith.constant 0 : i32
    %scan3A_74 = arith.constant 64 : i32
    %scan3A_75 = arith.addi %scan3A_73, %scan3A_74 : i32
    %scan3A_76 = arith.constant 1 : i32
    scf.for %scan3A_97 = %scan3A_73 to %scan3A_75 step %scan3A_76  : i32 {
      %mul3A_98 = arith.constant 16 : i32
      %mul3A_99 = arith.muli %scan3A_97, %mul3A_98 : i32
      %add3A_100 = arith.constant 0 : i32
      %add3A_101 = arith.addi %add3A_100, %mul3A_99 : i32
      %swap3A = arith.constant 14 : i32
      %swap3A_102 = arith.index_cast %swap3A : i32 to index
      %swap3A_103 = arith.index_cast %add3A_101 : i32 to index
      %swap3A_104 = tpu.vector_load %arg9[%swap3A_102, %swap3A_103] {strides = array<i32>} : memref<16x1024xf32, #tpu.memory_space<vmem>>, vector<16xf32>,
      tpu.vector_store %arg9[%swap3A_102, %swap3A_103], %broadcast_in_dim3A_3 {strides = array<i32>} : memref<16x1024xf32, #tpu.memory_space<vmem>>, vector<16xf32>,
      %swap3A_105 = arith.constant 14 : i32
      %swap3A_106 = arith.index_cast %swap3A_105 : i32 to index
      %swap3A_107 = arith.index_cast %add3A_101 : i32 to index
      %swap3A_108 = tpu.vector_load %arg10[%swap3A_106, %swap3A_107] {strides = array<i32>} : memref<16x1024xf32, #tpu.memory_space<vmem>>, vector<16xf32>,
      tpu.vector_store %arg10[%swap3A_106, %swap3A_107], %broadcast_in_dim3A_3 {strides = array<i32>} : memref<16x1024xf32, #tpu.memory_space<vmem>>, vector<16xf32>,
      %swap3A_109 = arith.constant 14 : i32
      %swap3A_110 = arith.index_cast %swap3A_109 : i32 to index
      %swap3A_111 = arith.index_cast %add3A_101 : i32 to index
      %swap3A_112 = tpu.vector_load %arg11[%swap3A_110, %swap3A_111] {strides = array<i32>} : memref<16x1024xf32, #tpu.memory_space<vmem>>, vector<16xf32>,
      tpu.vector_store %arg11[%swap3A_110, %swap3A_111], %broadcast_in_dim3A_3 {strides = array<i32>} : memref<16x1024xf32, #tpu.memory_space<vmem>>, vector<16xf32>,
    }
    %scan3A_77 = arith.constant 64 : i32
    %scan3A_78 = arith.constant 0 : i32
    %scan3A_79 = arith.constant 64 : i32
    %scan3A_80 = arith.addi %scan3A_78, %scan3A_79 : i32
    %scan3A_81 = arith.constant 1 : i32
    scf.for %scan3A_97 = %scan3A_78 to %scan3A_80 step %scan3A_81  : i32 {
      %mul3A_98 = arith.constant 16 : i32
      %mul3A_99 = arith.muli %scan3A_97, %mul3A_98 : i32
      %add3A_100 = arith.constant 0 : i32
      %add3A_101 = arith.addi %add3A_100, %mul3A_99 : i32
      %swap3A = arith.constant 15 : i32
      %swap3A_102 = arith.index_cast %swap3A : i32 to index
      %swap3A_103 = arith.index_cast %add3A_101 : i32 to index
      %swap3A_104 = tpu.vector_load %arg9[%swap3A_102, %swap3A_103] {strides = array<i32>} : memref<16x1024xf32, #tpu.memory_space<vmem>>, vector<16xf32>,
      tpu.vector_store %arg9[%swap3A_102, %swap3A_103], %broadcast_in_dim3A_3 {strides = array<i32>} : memref<16x1024xf32, #tpu.memory_space<vmem>>, vector<16xf32>,
      %swap3A_105 = arith.constant 15 : i32
      %swap3A_106 = arith.index_cast %swap3A_105 : i32 to index
      %swap3A_107 = arith.index_cast %add3A_101 : i32 to index
      %swap3A_108 = tpu.vector_load %arg10[%swap3A_106, %swap3A_107] {strides = array<i32>} : memref<16x1024xf32, #tpu.memory_space<vmem>>, vector<16xf32>,
      tpu.vector_store %arg10[%swap3A_106, %swap3A_107], %broadcast_in_dim3A_3 {strides = array<i32>} : memref<16x1024xf32, #tpu.memory_space<vmem>>, vector<16xf32>,
      %swap3A_109 = arith.constant 15 : i32
      %swap3A_110 = arith.index_cast %swap3A_109 : i32 to index
      %swap3A_111 = arith.index_cast %add3A_101 : i32 to index
      %swap3A_112 = tpu.vector_load %arg11[%swap3A_110, %swap3A_111] {strides = array<i32>} : memref<16x1024xf32, #tpu.memory_space<vmem>>, vector<16xf32>,
      tpu.vector_store %arg11[%swap3A_110, %swap3A_111], %broadcast_in_dim3A_3 {strides = array<i32>} : memref<16x1024xf32, #tpu.memory_space<vmem>>, vector<16xf32>,
    }
    %scan3A_82 = arith.constant 64 : i32
    %iota3A = tpu.iota {dimensions = array<i32: 0>} : vector<16xi32>
    %broadcast_in_dim3A_83 = arith.constant 1.000000e+00 : f32
    %broadcast_in_dim3A_84 = vector.broadcast %broadcast_in_dim3A_83 : f32 to vector<16xf32>
    %scan3A_85 = arith.constant 0 : i32
    %scan3A_86 = arith.constant 128 : i32
    %scan3A_87 = arith.addi %scan3A_85, %scan3A_86 : i32
    %scan3A_88 = arith.constant 1 : i32
    scf.for %scan3A_97 = %scan3A_85 to %scan3A_87 step %scan3A_88  : i32 {
      %mul3A_98 = arith.constant 16 : i32
      %mul3A_99 = arith.muli %scan3A_97, %mul3A_98 : i32
      %add3A_100 = arith.constant 0 : i32
      %add3A_101 = arith.addi %add3A_100, %mul3A_99 : i32
      %get3A = arith.index_cast %add3A_101 : i32 to index
      %get3A_102 = tpu.vector_load %arg7[%get3A] {strides = array<i32>} : memref<2048xi32, #tpu.memory_space<vmem>>, vector<16xi32>,
      %get3A_103 = arith.index_cast %add3A_101 : i32 to index
      %get3A_104 = tpu.vector_load %arg8[%get3A_103] {strides = array<i32>} : memref<2048xf32, #tpu.memory_space<vmem>>, vector<16xf32>,
      tpu.vector_store_idx %arg9[%iota3A, %get3A_102], %get3A_104 {add = true} : memref<16x1024xf32, #tpu.memory_space<vmem>>[vector<16xi32>, vector<16xi32>], vector<16xf32>,
      tpu.vector_store_idx %arg11[%iota3A, %get3A_102], %broadcast_in_dim3A_84 {add = true} : memref<16x1024xf32, #tpu.memory_space<vmem>>[vector<16xi32>, vector<16xi32>], vector<16xf32>,
      %gather3A = tpu.vector_load_idx %arg10[%iota3A, %get3A_102] : memref<16x1024xf32, #tpu.memory_space<vmem>>[vector<16xi32>, vector<16xi32>], vector<16xf32>,
      %max3A = arith.maximumf %gather3A, %get3A_104 : vector<16xf32>
      tpu.vector_store_idx %arg10[%iota3A, %get3A_102], %max3A : memref<16x1024xf32, #tpu.memory_space<vmem>>[vector<16xi32>, vector<16xi32>], vector<16xf32>,
    }
    %scan3A_89 = arith.constant 128 : i32
    %scan3A_90 = arith.constant 0 : i32
    %scan3A_91 = arith.constant 64 : i32
    %scan3A_92 = arith.addi %scan3A_90, %scan3A_91 : i32
    %scan3A_93 = arith.constant 1 : i32
    scf.for %scan3A_97 = %scan3A_90 to %scan3A_92 step %scan3A_93  : i32 {
      %mul3A_98 = arith.constant 16 : i32
      %mul3A_99 = arith.muli %scan3A_97, %mul3A_98 : i32
      %add3A_100 = arith.constant 0 : i32
      %add3A_101 = arith.addi %add3A_100, %mul3A_99 : i32
      %get3A = arith.constant 0 : i32
      %get3A_102 = arith.index_cast %get3A : i32 to index
      %get3A_103 = arith.index_cast %add3A_101 : i32 to index
      %get3A_104 = tpu.vector_load %arg9[%get3A_102, %get3A_103] {strides = array<i32>} : memref<16x1024xf32, #tpu.memory_space<vmem>>, vector<16xf32>,
      %get3A_105 = arith.constant 0 : i32
      %get3A_106 = arith.index_cast %get3A_105 : i32 to index
      %get3A_107 = arith.index_cast %add3A_101 : i32 to index
      %get3A_108 = tpu.vector_load %arg10[%get3A_106, %get3A_107] {strides = array<i32>} : memref<16x1024xf32, #tpu.memory_space<vmem>>, vector<16xf32>,
      %get3A_109 = arith.constant 0 : i32
      %get3A_110 = arith.index_cast %get3A_109 : i32 to index
      %get3A_111 = arith.index_cast %add3A_101 : i32 to index
      %get3A_112 = tpu.vector_load %arg11[%get3A_110, %get3A_111] {strides = array<i32>} : memref<16x1024xf32, #tpu.memory_space<vmem>>, vector<16xf32>,
      %get3A_113 = arith.constant 1 : i32
      %get3A_114 = arith.index_cast %get3A_113 : i32 to index
      %get3A_115 = arith.index_cast %add3A_101 : i32 to index
      %get3A_116 = tpu.vector_load %arg9[%get3A_114, %get3A_115] {strides = array<i32>} : memref<16x1024xf32, #tpu.memory_space<vmem>>, vector<16xf32>,
      %add3A_117 = arith.addf %get3A_104, %get3A_116 : vector<16xf32>
      %get3A_118 = arith.constant 1 : i32
      %get3A_119 = arith.index_cast %get3A_118 : i32 to index
      %get3A_120 = arith.index_cast %add3A_101 : i32 to index
      %get3A_121 = tpu.vector_load %arg10[%get3A_119, %get3A_120] {strides = array<i32>} : memref<16x1024xf32, #tpu.memory_space<vmem>>, vector<16xf32>,
      %max3A = arith.maximumf %get3A_108, %get3A_121 : vector<16xf32>
      %get3A_122 = arith.constant 1 : i32
      %get3A_123 = arith.index_cast %get3A_122 : i32 to index
      %get3A_124 = arith.index_cast %add3A_101 : i32 to index
      %get3A_125 = tpu.vector_load %arg11[%get3A_123, %get3A_124] {strides = array<i32>} : memref<16x1024xf32, #tpu.memory_space<vmem>>, vector<16xf32>,
      %add3A_126 = arith.addf %get3A_112, %get3A_125 : vector<16xf32>
      %get3A_127 = arith.constant 2 : i32
      %get3A_128 = arith.index_cast %get3A_127 : i32 to index
      %get3A_129 = arith.index_cast %add3A_101 : i32 to index
      %get3A_130 = tpu.vector_load %arg9[%get3A_128, %get3A_129] {strides = array<i32>} : memref<16x1024xf32, #tpu.memory_space<vmem>>, vector<16xf32>,
      %add3A_131 = arith.addf %add3A_117, %get3A_130 : vector<16xf32>
      %get3A_132 = arith.constant 2 : i32
      %get3A_133 = arith.index_cast %get3A_132 : i32 to index
      %get3A_134 = arith.index_cast %add3A_101 : i32 to index
      %get3A_135 = tpu.vector_load %arg10[%get3A_133, %get3A_134] {strides = array<i32>} : memref<16x1024xf32, #tpu.memory_space<vmem>>, vector<16xf32>,
      %max3A_136 = arith.maximumf %max3A, %get3A_135 : vector<16xf32>
      %get3A_137 = arith.constant 2 : i32
      %get3A_138 = arith.index_cast %get3A_137 : i32 to index
      %get3A_139 = arith.index_cast %add3A_101 : i32 to index
      %get3A_140 = tpu.vector_load %arg11[%get3A_138, %get3A_139] {strides = array<i32>} : memref<16x1024xf32, #tpu.memory_space<vmem>>, vector<16xf32>,
      %add3A_141 = arith.addf %add3A_126, %get3A_140 : vector<16xf32>
      %get3A_142 = arith.constant 3 : i32
      %get3A_143 = arith.index_cast %get3A_142 : i32 to index
      %get3A_144 = arith.index_cast %add3A_101 : i32 to index
      %get3A_145 = tpu.vector_load %arg9[%get3A_143, %get3A_144] {strides = array<i32>} : memref<16x1024xf32, #tpu.memory_space<vmem>>, vector<16xf32>,
      %add3A_146 = arith.addf %add3A_131, %get3A_145 : vector<16xf32>
      %get3A_147 = arith.constant 3 : i32
      %get3A_148 = arith.index_cast %get3A_147 : i32 to index
      %get3A_149 = arith.index_cast %add3A_101 : i32 to index
      %get3A_150 = tpu.vector_load %arg10[%get3A_148, %get3A_149] {strides = array<i32>} : memref<16x1024xf32, #tpu.memory_space<vmem>>, vector<16xf32>,
      %max3A_151 = arith.maximumf %max3A_136, %get3A_150 : vector<16xf32>
      %get3A_152 = arith.constant 3 : i32
      %get3A_153 = arith.index_cast %get3A_152 : i32 to index
      %get3A_154 = arith.index_cast %add3A_101 : i32 to index
      %get3A_155 = tpu.vector_load %arg11[%get3A_153, %get3A_154] {strides = array<i32>} : memref<16x1024xf32, #tpu.memory_space<vmem>>, vector<16xf32>,
      %add3A_156 = arith.addf %add3A_141, %get3A_155 : vector<16xf32>
      %get3A_157 = arith.constant 4 : i32
      %get3A_158 = arith.index_cast %get3A_157 : i32 to index
      %get3A_159 = arith.index_cast %add3A_101 : i32 to index
      %get3A_160 = tpu.vector_load %arg9[%get3A_158, %get3A_159] {strides = array<i32>} : memref<16x1024xf32, #tpu.memory_space<vmem>>, vector<16xf32>,
      %add3A_161 = arith.addf %add3A_146, %get3A_160 : vector<16xf32>
      %get3A_162 = arith.constant 4 : i32
      %get3A_163 = arith.index_cast %get3A_162 : i32 to index
      %get3A_164 = arith.index_cast %add3A_101 : i32 to index
      %get3A_165 = tpu.vector_load %arg10[%get3A_163, %get3A_164] {strides = array<i32>} : memref<16x1024xf32, #tpu.memory_space<vmem>>, vector<16xf32>,
      %max3A_166 = arith.maximumf %max3A_151, %get3A_165 : vector<16xf32>
      %get3A_167 = arith.constant 4 : i32
      %get3A_168 = arith.index_cast %get3A_167 : i32 to index
      %get3A_169 = arith.index_cast %add3A_101 : i32 to index
      %get3A_170 = tpu.vector_load %arg11[%get3A_168, %get3A_169] {strides = array<i32>} : memref<16x1024xf32, #tpu.memory_space<vmem>>, vector<16xf32>,
      %add3A_171 = arith.addf %add3A_156, %get3A_170 : vector<16xf32>
      %get3A_172 = arith.constant 5 : i32
      %get3A_173 = arith.index_cast %get3A_172 : i32 to index
      %get3A_174 = arith.index_cast %add3A_101 : i32 to index
      %get3A_175 = tpu.vector_load %arg9[%get3A_173, %get3A_174] {strides = array<i32>} : memref<16x1024xf32, #tpu.memory_space<vmem>>, vector<16xf32>,
      %add3A_176 = arith.addf %add3A_161, %get3A_175 : vector<16xf32>
      %get3A_177 = arith.constant 5 : i32
      %get3A_178 = arith.index_cast %get3A_177 : i32 to index
      %get3A_179 = arith.index_cast %add3A_101 : i32 to index
      %get3A_180 = tpu.vector_load %arg10[%get3A_178, %get3A_179] {strides = array<i32>} : memref<16x1024xf32, #tpu.memory_space<vmem>>, vector<16xf32>,
      %max3A_181 = arith.maximumf %max3A_166, %get3A_180 : vector<16xf32>
      %get3A_182 = arith.constant 5 : i32
      %get3A_183 = arith.index_cast %get3A_182 : i32 to index
      %get3A_184 = arith.index_cast %add3A_101 : i32 to index
      %get3A_185 = tpu.vector_load %arg11[%get3A_183, %get3A_184] {strides = array<i32>} : memref<16x1024xf32, #tpu.memory_space<vmem>>, vector<16xf32>,
      %add3A_186 = arith.addf %add3A_171, %get3A_185 : vector<16xf32>
      %get3A_187 = arith.constant 6 : i32
      %get3A_188 = arith.index_cast %get3A_187 : i32 to index
      %get3A_189 = arith.index_cast %add3A_101 : i32 to index
      %get3A_190 = tpu.vector_load %arg9[%get3A_188, %get3A_189] {strides = array<i32>} : memref<16x1024xf32, #tpu.memory_space<vmem>>, vector<16xf32>,
      %add3A_191 = arith.addf %add3A_176, %get3A_190 : vector<16xf32>
      %get3A_192 = arith.constant 6 : i32
      %get3A_193 = arith.index_cast %get3A_192 : i32 to index
      %get3A_194 = arith.index_cast %add3A_101 : i32 to index
      %get3A_195 = tpu.vector_load %arg10[%get3A_193, %get3A_194] {strides = array<i32>} : memref<16x1024xf32, #tpu.memory_space<vmem>>, vector<16xf32>,
      %max3A_196 = arith.maximumf %max3A_181, %get3A_195 : vector<16xf32>
      %get3A_197 = arith.constant 6 : i32
      %get3A_198 = arith.index_cast %get3A_197 : i32 to index
      %get3A_199 = arith.index_cast %add3A_101 : i32 to index
      %get3A_200 = tpu.vector_load %arg11[%get3A_198, %get3A_199] {strides = array<i32>} : memref<16x1024xf32, #tpu.memory_space<vmem>>, vector<16xf32>,
      %add3A_201 = arith.addf %add3A_186, %get3A_200 : vector<16xf32>
      %get3A_202 = arith.constant 7 : i32
      %get3A_203 = arith.index_cast %get3A_202 : i32 to index
      %get3A_204 = arith.index_cast %add3A_101 : i32 to index
      %get3A_205 = tpu.vector_load %arg9[%get3A_203, %get3A_204] {strides = array<i32>} : memref<16x1024xf32, #tpu.memory_space<vmem>>, vector<16xf32>,
      %add3A_206 = arith.addf %add3A_191, %get3A_205 : vector<16xf32>
      %get3A_207 = arith.constant 7 : i32
      %get3A_208 = arith.index_cast %get3A_207 : i32 to index
      %get3A_209 = arith.index_cast %add3A_101 : i32 to index
      %get3A_210 = tpu.vector_load %arg10[%get3A_208, %get3A_209] {strides = array<i32>} : memref<16x1024xf32, #tpu.memory_space<vmem>>, vector<16xf32>,
      %max3A_211 = arith.maximumf %max3A_196, %get3A_210 : vector<16xf32>
      %get3A_212 = arith.constant 7 : i32
      %get3A_213 = arith.index_cast %get3A_212 : i32 to index
      %get3A_214 = arith.index_cast %add3A_101 : i32 to index
      %get3A_215 = tpu.vector_load %arg11[%get3A_213, %get3A_214] {strides = array<i32>} : memref<16x1024xf32, #tpu.memory_space<vmem>>, vector<16xf32>,
      %add3A_216 = arith.addf %add3A_201, %get3A_215 : vector<16xf32>
      %get3A_217 = arith.constant 8 : i32
      %get3A_218 = arith.index_cast %get3A_217 : i32 to index
      %get3A_219 = arith.index_cast %add3A_101 : i32 to index
      %get3A_220 = tpu.vector_load %arg9[%get3A_218, %get3A_219] {strides = array<i32>} : memref<16x1024xf32, #tpu.memory_space<vmem>>, vector<16xf32>,
      %add3A_221 = arith.addf %add3A_206, %get3A_220 : vector<16xf32>
      %get3A_222 = arith.constant 8 : i32
      %get3A_223 = arith.index_cast %get3A_222 : i32 to index
      %get3A_224 = arith.index_cast %add3A_101 : i32 to index
      %get3A_225 = tpu.vector_load %arg10[%get3A_223, %get3A_224] {strides = array<i32>} : memref<16x1024xf32, #tpu.memory_space<vmem>>, vector<16xf32>,
      %max3A_226 = arith.maximumf %max3A_211, %get3A_225 : vector<16xf32>
      %get3A_227 = arith.constant 8 : i32
      %get3A_228 = arith.index_cast %get3A_227 : i32 to index
      %get3A_229 = arith.index_cast %add3A_101 : i32 to index
      %get3A_230 = tpu.vector_load %arg11[%get3A_228, %get3A_229] {strides = array<i32>} : memref<16x1024xf32, #tpu.memory_space<vmem>>, vector<16xf32>,
      %add3A_231 = arith.addf %add3A_216, %get3A_230 : vector<16xf32>
      %get3A_232 = arith.constant 9 : i32
      %get3A_233 = arith.index_cast %get3A_232 : i32 to index
      %get3A_234 = arith.index_cast %add3A_101 : i32 to index
      %get3A_235 = tpu.vector_load %arg9[%get3A_233, %get3A_234] {strides = array<i32>} : memref<16x1024xf32, #tpu.memory_space<vmem>>, vector<16xf32>,
      %add3A_236 = arith.addf %add3A_221, %get3A_235 : vector<16xf32>
      %get3A_237 = arith.constant 9 : i32
      %get3A_238 = arith.index_cast %get3A_237 : i32 to index
      %get3A_239 = arith.index_cast %add3A_101 : i32 to index
      %get3A_240 = tpu.vector_load %arg10[%get3A_238, %get3A_239] {strides = array<i32>} : memref<16x1024xf32, #tpu.memory_space<vmem>>, vector<16xf32>,
      %max3A_241 = arith.maximumf %max3A_226, %get3A_240 : vector<16xf32>
      %get3A_242 = arith.constant 9 : i32
      %get3A_243 = arith.index_cast %get3A_242 : i32 to index
      %get3A_244 = arith.index_cast %add3A_101 : i32 to index
      %get3A_245 = tpu.vector_load %arg11[%get3A_243, %get3A_244] {strides = array<i32>} : memref<16x1024xf32, #tpu.memory_space<vmem>>, vector<16xf32>,
      %add3A_246 = arith.addf %add3A_231, %get3A_245 : vector<16xf32>
      %get3A_247 = arith.constant 10 : i32
      %get3A_248 = arith.index_cast %get3A_247 : i32 to index
      %get3A_249 = arith.index_cast %add3A_101 : i32 to index
      %get3A_250 = tpu.vector_load %arg9[%get3A_248, %get3A_249] {strides = array<i32>} : memref<16x1024xf32, #tpu.memory_space<vmem>>, vector<16xf32>,
      %add3A_251 = arith.addf %add3A_236, %get3A_250 : vector<16xf32>
      %get3A_252 = arith.constant 10 : i32
      %get3A_253 = arith.index_cast %get3A_252 : i32 to index
      %get3A_254 = arith.index_cast %add3A_101 : i32 to index
      %get3A_255 = tpu.vector_load %arg10[%get3A_253, %get3A_254] {strides = array<i32>} : memref<16x1024xf32, #tpu.memory_space<vmem>>, vector<16xf32>,
      %max3A_256 = arith.maximumf %max3A_241, %get3A_255 : vector<16xf32>
      %get3A_257 = arith.constant 10 : i32
      %get3A_258 = arith.index_cast %get3A_257 : i32 to index
      %get3A_259 = arith.index_cast %add3A_101 : i32 to index
      %get3A_260 = tpu.vector_load %arg11[%get3A_258, %get3A_259] {strides = array<i32>} : memref<16x1024xf32, #tpu.memory_space<vmem>>, vector<16xf32>,
      %add3A_261 = arith.addf %add3A_246, %get3A_260 : vector<16xf32>
      %get3A_262 = arith.constant 11 : i32
      %get3A_263 = arith.index_cast %get3A_262 : i32 to index
      %get3A_264 = arith.index_cast %add3A_101 : i32 to index
      %get3A_265 = tpu.vector_load %arg9[%get3A_263, %get3A_264] {strides = array<i32>} : memref<16x1024xf32, #tpu.memory_space<vmem>>, vector<16xf32>,
      %add3A_266 = arith.addf %add3A_251, %get3A_265 : vector<16xf32>
      %get3A_267 = arith.constant 11 : i32
      %get3A_268 = arith.index_cast %get3A_267 : i32 to index
      %get3A_269 = arith.index_cast %add3A_101 : i32 to index
      %get3A_270 = tpu.vector_load %arg10[%get3A_268, %get3A_269] {strides = array<i32>} : memref<16x1024xf32, #tpu.memory_space<vmem>>, vector<16xf32>,
      %max3A_271 = arith.maximumf %max3A_256, %get3A_270 : vector<16xf32>
      %get3A_272 = arith.constant 11 : i32
      %get3A_273 = arith.index_cast %get3A_272 : i32 to index
      %get3A_274 = arith.index_cast %add3A_101 : i32 to index
      %get3A_275 = tpu.vector_load %arg11[%get3A_273, %get3A_274] {strides = array<i32>} : memref<16x1024xf32, #tpu.memory_space<vmem>>, vector<16xf32>,
      %add3A_276 = arith.addf %add3A_261, %get3A_275 : vector<16xf32>
      %get3A_277 = arith.constant 12 : i32
      %get3A_278 = arith.index_cast %get3A_277 : i32 to index
      %get3A_279 = arith.index_cast %add3A_101 : i32 to index
      %get3A_280 = tpu.vector_load %arg9[%get3A_278, %get3A_279] {strides = array<i32>} : memref<16x1024xf32, #tpu.memory_space<vmem>>, vector<16xf32>,
      %add3A_281 = arith.addf %add3A_266, %get3A_280 : vector<16xf32>
      %get3A_282 = arith.constant 12 : i32
      %get3A_283 = arith.index_cast %get3A_282 : i32 to index
      %get3A_284 = arith.index_cast %add3A_101 : i32 to index
      %get3A_285 = tpu.vector_load %arg10[%get3A_283, %get3A_284] {strides = array<i32>} : memref<16x1024xf32, #tpu.memory_space<vmem>>, vector<16xf32>,
      %max3A_286 = arith.maximumf %max3A_271, %get3A_285 : vector<16xf32>
      %get3A_287 = arith.constant 12 : i32
      %get3A_288 = arith.index_cast %get3A_287 : i32 to index
      %get3A_289 = arith.index_cast %add3A_101 : i32 to index
      %get3A_290 = tpu.vector_load %arg11[%get3A_288, %get3A_289] {strides = array<i32>} : memref<16x1024xf32, #tpu.memory_space<vmem>>, vector<16xf32>,
      %add3A_291 = arith.addf %add3A_276, %get3A_290 : vector<16xf32>
      %get3A_292 = arith.constant 13 : i32
      %get3A_293 = arith.index_cast %get3A_292 : i32 to index
      %get3A_294 = arith.index_cast %add3A_101 : i32 to index
      %get3A_295 = tpu.vector_load %arg9[%get3A_293, %get3A_294] {strides = array<i32>} : memref<16x1024xf32, #tpu.memory_space<vmem>>, vector<16xf32>,
      %add3A_296 = arith.addf %add3A_281, %get3A_295 : vector<16xf32>
      %get3A_297 = arith.constant 13 : i32
      %get3A_298 = arith.index_cast %get3A_297 : i32 to index
      %get3A_299 = arith.index_cast %add3A_101 : i32 to index
      %get3A_300 = tpu.vector_load %arg10[%get3A_298, %get3A_299] {strides = array<i32>} : memref<16x1024xf32, #tpu.memory_space<vmem>>, vector<16xf32>,
      %max3A_301 = arith.maximumf %max3A_286, %get3A_300 : vector<16xf32>
      %get3A_302 = arith.constant 13 : i32
      %get3A_303 = arith.index_cast %get3A_302 : i32 to index
      %get3A_304 = arith.index_cast %add3A_101 : i32 to index
      %get3A_305 = tpu.vector_load %arg11[%get3A_303, %get3A_304] {strides = array<i32>} : memref<16x1024xf32, #tpu.memory_space<vmem>>, vector<16xf32>,
      %add3A_306 = arith.addf %add3A_291, %get3A_305 : vector<16xf32>
      %get3A_307 = arith.constant 14 : i32
      %get3A_308 = arith.index_cast %get3A_307 : i32 to index
      %get3A_309 = arith.index_cast %add3A_101 : i32 to index
      %get3A_310 = tpu.vector_load %arg9[%get3A_308, %get3A_309] {strides = array<i32>} : memref<16x1024xf32, #tpu.memory_space<vmem>>, vector<16xf32>,
      %add3A_311 = arith.addf %add3A_296, %get3A_310 : vector<16xf32>
      %get3A_312 = arith.constant 14 : i32
      %get3A_313 = arith.index_cast %get3A_312 : i32 to index
      %get3A_314 = arith.index_cast %add3A_101 : i32 to index
      %get3A_315 = tpu.vector_load %arg10[%get3A_313, %get3A_314] {strides = array<i32>} : memref<16x1024xf32, #tpu.memory_space<vmem>>, vector<16xf32>,
      %max3A_316 = arith.maximumf %max3A_301, %get3A_315 : vector<16xf32>
      %get3A_317 = arith.constant 14 : i32
      %get3A_318 = arith.index_cast %get3A_317 : i32 to index
      %get3A_319 = arith.index_cast %add3A_101 : i32 to index
      %get3A_320 = tpu.vector_load %arg11[%get3A_318, %get3A_319] {strides = array<i32>} : memref<16x1024xf32, #tpu.memory_space<vmem>>, vector<16xf32>,
      %add3A_321 = arith.addf %add3A_306, %get3A_320 : vector<16xf32>
      %get3A_322 = arith.constant 15 : i32
      %get3A_323 = arith.index_cast %get3A_322 : i32 to index
      %get3A_324 = arith.index_cast %add3A_101 : i32 to index
      %get3A_325 = tpu.vector_load %arg9[%get3A_323, %get3A_324] {strides = array<i32>} : memref<16x1024xf32, #tpu.memory_space<vmem>>, vector<16xf32>,
      %add3A_326 = arith.addf %add3A_311, %get3A_325 : vector<16xf32>
      %get3A_327 = arith.constant 15 : i32
      %get3A_328 = arith.index_cast %get3A_327 : i32 to index
      %get3A_329 = arith.index_cast %add3A_101 : i32 to index
      %get3A_330 = tpu.vector_load %arg10[%get3A_328, %get3A_329] {strides = array<i32>} : memref<16x1024xf32, #tpu.memory_space<vmem>>, vector<16xf32>,
      %max3A_331 = arith.maximumf %max3A_316, %get3A_330 : vector<16xf32>
      %get3A_332 = arith.constant 15 : i32
      %get3A_333 = arith.index_cast %get3A_332 : i32 to index
      %get3A_334 = arith.index_cast %add3A_101 : i32 to index
      %get3A_335 = tpu.vector_load %arg11[%get3A_333, %get3A_334] {strides = array<i32>} : memref<16x1024xf32, #tpu.memory_space<vmem>>, vector<16xf32>,
      %add3A_336 = arith.addf %add3A_321, %get3A_335 : vector<16xf32>
      %swap3A = arith.constant 0 : i32
      %swap3A_337 = arith.index_cast %swap3A : i32 to index
      %swap3A_338 = arith.index_cast %add3A_101 : i32 to index
      %swap3A_339 = tpu.vector_load %arg9[%swap3A_337, %swap3A_338] {strides = array<i32>} : memref<16x1024xf32, #tpu.memory_space<vmem>>, vector<16xf32>,
      tpu.vector_store %arg9[%swap3A_337, %swap3A_338], %add3A_326 {strides = array<i32>} : memref<16x1024xf32, #tpu.memory_space<vmem>>, vector<16xf32>,
      %swap3A_340 = arith.constant 0 : i32
      %swap3A_341 = arith.index_cast %swap3A_340 : i32 to index
      %swap3A_342 = arith.index_cast %add3A_101 : i32 to index
      %swap3A_343 = tpu.vector_load %arg10[%swap3A_341, %swap3A_342] {strides = array<i32>} : memref<16x1024xf32, #tpu.memory_space<vmem>>, vector<16xf32>,
      tpu.vector_store %arg10[%swap3A_341, %swap3A_342], %max3A_331 {strides = array<i32>} : memref<16x1024xf32, #tpu.memory_space<vmem>>, vector<16xf32>,
      %swap3A_344 = arith.constant 0 : i32
      %swap3A_345 = arith.index_cast %swap3A_344 : i32 to index
      %swap3A_346 = arith.index_cast %add3A_101 : i32 to index
      %swap3A_347 = tpu.vector_load %arg11[%swap3A_345, %swap3A_346] {strides = array<i32>} : memref<16x1024xf32, #tpu.memory_space<vmem>>, vector<16xf32>,
      tpu.vector_store %arg11[%swap3A_345, %swap3A_346], %add3A_336 {strides = array<i32>} : memref<16x1024xf32, #tpu.memory_space<vmem>>, vector<16xf32>,
    }
    %scan3A_94 = arith.constant 64 : i32
    %run_scoped3A = arith.constant 0 : i32
    "tpu.region"() ({
      %run_scoped3A_97 = tpu.sem_alloc : memref<!tpu.dma_semaphore, #tpu.memory_space<semaphore_mem>>
      %dma_start3A = arith.constant 0 : i32
      %dma_start3A_98 = tpu.memref_slice %arg9[%run_scoped3A, %dma_start3A] : memref<16x1024xf32, #tpu.memory_space<vmem>> -> memref<1x1024xf32, #tpu.memory_space<vmem>>
      %dma_start3A_99 = tpu.memref_squeeze %dma_start3A_98 : memref<1x1024xf32, #tpu.memory_space<vmem>> -> memref<1024xf32, #tpu.memory_space<vmem>>
      %dma_start3A_100 = arith.constant 0 : i32
      %dma_start3A_101 = tpu.memref_slice %arg4[%add3A, %dma_start3A_100] : memref<32x1024xf32, #tpu.memory_space<hbm>> -> memref<1x1024xf32, #tpu.memory_space<hbm>>
      %dma_start3A_102 = tpu.memref_squeeze %dma_start3A_101 : memref<1x1024xf32, #tpu.memory_space<hbm>> -> memref<1024xf32, #tpu.memory_space<hbm>>
      %dma_start3A_103 = arith.constant 0 : i32
      %dma_start3A_104 = tpu.memref_slice %arg4[%add3A, %dma_start3A_103] : memref<32x1024xf32, #tpu.memory_space<hbm>> -> memref<1x1024xf32, #tpu.memory_space<hbm>>
      %dma_start3A_105 = tpu.memref_squeeze %dma_start3A_104 : memref<1x1024xf32, #tpu.memory_space<hbm>> -> memref<1024xf32, #tpu.memory_space<hbm>>
      %dma_start3A_106 = arith.constant 0 : i32
      %dma_start3A_107 = tpu.memref_slice %arg9[%run_scoped3A, %dma_start3A_106] : memref<16x1024xf32, #tpu.memory_space<vmem>> -> memref<1x1024xf32, #tpu.memory_space<vmem>>
      %dma_start3A_108 = tpu.memref_squeeze %dma_start3A_107 : memref<1x1024xf32, #tpu.memory_space<vmem>> -> memref<1024xf32, #tpu.memory_space<vmem>>
      tpu.enqueue_dma source(%dma_start3A_108 : memref<1024xf32, #tpu.memory_space<vmem>>) target(%dma_start3A_105 : memref<1024xf32, #tpu.memory_space<hbm>>) target_semaphore(%run_scoped3A_97 : memref<!tpu.dma_semaphore, #tpu.memory_space<semaphore_mem>>)
      %dma_wait3A = arith.constant 0 : i32
      %dma_wait3A_109 = tpu.memref_slice %arg9[%run_scoped3A, %dma_wait3A] : memref<16x1024xf32, #tpu.memory_space<vmem>> -> memref<1x1024xf32, #tpu.memory_space<vmem>>
      %dma_wait3A_110 = tpu.memref_squeeze %dma_wait3A_109 : memref<1x1024xf32, #tpu.memory_space<vmem>> -> memref<1024xf32, #tpu.memory_space<vmem>>
      %dma_wait3A_111 = arith.constant 0 : i32
      %dma_wait3A_112 = tpu.memref_slice %arg4[%add3A, %dma_wait3A_111] : memref<32x1024xf32, #tpu.memory_space<hbm>> -> memref<1x1024xf32, #tpu.memory_space<hbm>>
      %dma_wait3A_113 = tpu.memref_squeeze %dma_wait3A_112 : memref<1x1024xf32, #tpu.memory_space<hbm>> -> memref<1024xf32, #tpu.memory_space<hbm>>
      %dma_wait3A_114 = arith.constant 0 : i32
      %dma_wait3A_115 = tpu.memref_slice %arg4[%add3A, %dma_wait3A_114] : memref<32x1024xf32, #tpu.memory_space<hbm>> -> memref<1x1024xf32, #tpu.memory_space<hbm>>
      %dma_wait3A_116 = tpu.memref_squeeze %dma_wait3A_115 : memref<1x1024xf32, #tpu.memory_space<hbm>> -> memref<1024xf32, #tpu.memory_space<hbm>>
      %dma_wait3A_117 = arith.constant 0 : i32
      %dma_wait3A_118 = tpu.memref_slice %arg9[%run_scoped3A, %dma_wait3A_117] : memref<16x1024xf32, #tpu.memory_space<vmem>> -> memref<1x1024xf32, #tpu.memory_space<vmem>>
      %dma_wait3A_119 = tpu.memref_squeeze %dma_wait3A_118 : memref<1x1024xf32, #tpu.memory_space<vmem>> -> memref<1024xf32, #tpu.memory_space<vmem>>
      tpu.wait_dma2 semaphore(%run_scoped3A_97 : memref<!tpu.dma_semaphore, #tpu.memory_space<semaphore_mem>>) src(%dma_wait3A_119 : memref<1024xf32, #tpu.memory_space<vmem>>) dst(%dma_wait3A_116 : memref<1024xf32, #tpu.memory_space<hbm>>)
      tpu.yield
    }) : () -> ()
    %run_scoped3A_95 = arith.constant 0 : i32
    "tpu.region"() ({
      %run_scoped3A_97 = tpu.sem_alloc : memref<!tpu.dma_semaphore, #tpu.memory_space<semaphore_mem>>
      %dma_start3A = arith.constant 0 : i32
      %dma_start3A_98 = tpu.memref_slice %arg10[%run_scoped3A_95, %dma_start3A] : memref<16x1024xf32, #tpu.memory_space<vmem>> -> memref<1x1024xf32, #tpu.memory_space<vmem>>
      %dma_start3A_99 = tpu.memref_squeeze %dma_start3A_98 : memref<1x1024xf32, #tpu.memory_space<vmem>> -> memref<1024xf32, #tpu.memory_space<vmem>>
      %dma_start3A_100 = arith.constant 0 : i32
      %dma_start3A_101 = tpu.memref_slice %arg5[%add3A, %dma_start3A_100] : memref<32x1024xf32, #tpu.memory_space<hbm>> -> memref<1x1024xf32, #tpu.memory_space<hbm>>
      %dma_start3A_102 = tpu.memref_squeeze %dma_start3A_101 : memref<1x1024xf32, #tpu.memory_space<hbm>> -> memref<1024xf32, #tpu.memory_space<hbm>>
      %dma_start3A_103 = arith.constant 0 : i32
      %dma_start3A_104 = tpu.memref_slice %arg5[%add3A, %dma_start3A_103] : memref<32x1024xf32, #tpu.memory_space<hbm>> -> memref<1x1024xf32, #tpu.memory_space<hbm>>
      %dma_start3A_105 = tpu.memref_squeeze %dma_start3A_104 : memref<1x1024xf32, #tpu.memory_space<hbm>> -> memref<1024xf32, #tpu.memory_space<hbm>>
      %dma_start3A_106 = arith.constant 0 : i32
      %dma_start3A_107 = tpu.memref_slice %arg10[%run_scoped3A_95, %dma_start3A_106] : memref<16x1024xf32, #tpu.memory_space<vmem>> -> memref<1x1024xf32, #tpu.memory_space<vmem>>
      %dma_start3A_108 = tpu.memref_squeeze %dma_start3A_107 : memref<1x1024xf32, #tpu.memory_space<vmem>> -> memref<1024xf32, #tpu.memory_space<vmem>>
      tpu.enqueue_dma source(%dma_start3A_108 : memref<1024xf32, #tpu.memory_space<vmem>>) target(%dma_start3A_105 : memref<1024xf32, #tpu.memory_space<hbm>>) target_semaphore(%run_scoped3A_97 : memref<!tpu.dma_semaphore, #tpu.memory_space<semaphore_mem>>)
      %dma_wait3A = arith.constant 0 : i32
      %dma_wait3A_109 = tpu.memref_slice %arg10[%run_scoped3A_95, %dma_wait3A] : memref<16x1024xf32, #tpu.memory_space<vmem>> -> memref<1x1024xf32, #tpu.memory_space<vmem>>
      %dma_wait3A_110 = tpu.memref_squeeze %dma_wait3A_109 : memref<1x1024xf32, #tpu.memory_space<vmem>> -> memref<1024xf32, #tpu.memory_space<vmem>>
      %dma_wait3A_111 = arith.constant 0 : i32
      %dma_wait3A_112 = tpu.memref_slice %arg5[%add3A, %dma_wait3A_111] : memref<32x1024xf32, #tpu.memory_space<hbm>> -> memref<1x1024xf32, #tpu.memory_space<hbm>>
      %dma_wait3A_113 = tpu.memref_squeeze %dma_wait3A_112 : memref<1x1024xf32, #tpu.memory_space<hbm>> -> memref<1024xf32, #tpu.memory_space<hbm>>
      %dma_wait3A_114 = arith.constant 0 : i32
      %dma_wait3A_115 = tpu.memref_slice %arg5[%add3A, %dma_wait3A_114] : memref<32x1024xf32, #tpu.memory_space<hbm>> -> memref<1x1024xf32, #tpu.memory_space<hbm>>
      %dma_wait3A_116 = tpu.memref_squeeze %dma_wait3A_115 : memref<1x1024xf32, #tpu.memory_space<hbm>> -> memref<1024xf32, #tpu.memory_space<hbm>>
      %dma_wait3A_117 = arith.constant 0 : i32
      %dma_wait3A_118 = tpu.memref_slice %arg10[%run_scoped3A_95, %dma_wait3A_117] : memref<16x1024xf32, #tpu.memory_space<vmem>> -> memref<1x1024xf32, #tpu.memory_space<vmem>>
      %dma_wait3A_119 = tpu.memref_squeeze %dma_wait3A_118 : memref<1x1024xf32, #tpu.memory_space<vmem>> -> memref<1024xf32, #tpu.memory_space<vmem>>
      tpu.wait_dma2 semaphore(%run_scoped3A_97 : memref<!tpu.dma_semaphore, #tpu.memory_space<semaphore_mem>>) src(%dma_wait3A_119 : memref<1024xf32, #tpu.memory_space<vmem>>) dst(%dma_wait3A_116 : memref<1024xf32, #tpu.memory_space<hbm>>)
      tpu.yield
    }) : () -> ()
    %run_scoped3A_96 = arith.constant 0 : i32
    "tpu.region"() ({
      %run_scoped3A_97 = tpu.sem_alloc : memref<!tpu.dma_semaphore, #tpu.memory_space<semaphore_mem>>
      %dma_start3A = arith.constant 0 : i32
      %dma_start3A_98 = tpu.memref_slice %arg11[%run_scoped3A_96, %dma_start3A] : memref<16x1024xf32, #tpu.memory_space<vmem>> -> memref<1x1024xf32, #tpu.memory_space<vmem>>
      %dma_start3A_99 = tpu.memref_squeeze %dma_start3A_98 : memref<1x1024xf32, #tpu.memory_space<vmem>> -> memref<1024xf32, #tpu.memory_space<vmem>>
      %dma_start3A_100 = arith.constant 0 : i32
      %dma_start3A_101 = tpu.memref_slice %arg6[%add3A, %dma_start3A_100] : memref<32x1024xf32, #tpu.memory_space<hbm>> -> memref<1x1024xf32, #tpu.memory_space<hbm>>
      %dma_start3A_102 = tpu.memref_squeeze %dma_start3A_101 : memref<1x1024xf32, #tpu.memory_space<hbm>> -> memref<1024xf32, #tpu.memory_space<hbm>>
      %dma_start3A_103 = arith.constant 0 : i32
      %dma_start3A_104 = tpu.memref_slice %arg6[%add3A, %dma_start3A_103] : memref<32x1024xf32, #tpu.memory_space<hbm>> -> memref<1x1024xf32, #tpu.memory_space<hbm>>
      %dma_start3A_105 = tpu.memref_squeeze %dma_start3A_104 : memref<1x1024xf32, #tpu.memory_space<hbm>> -> memref<1024xf32, #tpu.memory_space<hbm>>
      %dma_start3A_106 = arith.constant 0 : i32
      %dma_start3A_107 = tpu.memref_slice %arg11[%run_scoped3A_96, %dma_start3A_106] : memref<16x1024xf32, #tpu.memory_space<vmem>> -> memref<1x1024xf32, #tpu.memory_space<vmem>>
      %dma_start3A_108 = tpu.memref_squeeze %dma_start3A_107 : memref<1x1024xf32, #tpu.memory_space<vmem>> -> memref<1024xf32, #tpu.memory_space<vmem>>
      tpu.enqueue_dma source(%dma_start3A_108 : memref<1024xf32, #tpu.memory_space<vmem>>) target(%dma_start3A_105 : memref<1024xf32, #tpu.memory_space<hbm>>) target_semaphore(%run_scoped3A_97 : memref<!tpu.dma_semaphore, #tpu.memory_space<semaphore_mem>>)
      %dma_wait3A = arith.constant 0 : i32
      %dma_wait3A_109 = tpu.memref_slice %arg11[%run_scoped3A_96, %dma_wait3A] : memref<16x1024xf32, #tpu.memory_space<vmem>> -> memref<1x1024xf32, #tpu.memory_space<vmem>>
      %dma_wait3A_110 = tpu.memref_squeeze %dma_wait3A_109 : memref<1x1024xf32, #tpu.memory_space<vmem>> -> memref<1024xf32, #tpu.memory_space<vmem>>
      %dma_wait3A_111 = arith.constant 0 : i32
      %dma_wait3A_112 = tpu.memref_slice %arg6[%add3A, %dma_wait3A_111] : memref<32x1024xf32, #tpu.memory_space<hbm>> -> memref<1x1024xf32, #tpu.memory_space<hbm>>
      %dma_wait3A_113 = tpu.memref_squeeze %dma_wait3A_112 : memref<1x1024xf32, #tpu.memory_space<hbm>> -> memref<1024xf32, #tpu.memory_space<hbm>>
      %dma_wait3A_114 = arith.constant 0 : i32
      %dma_wait3A_115 = tpu.memref_slice %arg6[%add3A, %dma_wait3A_114] : memref<32x1024xf32, #tpu.memory_space<hbm>> -> memref<1x1024xf32, #tpu.memory_space<hbm>>
      %dma_wait3A_116 = tpu.memref_squeeze %dma_wait3A_115 : memref<1x1024xf32, #tpu.memory_space<hbm>> -> memref<1024xf32, #tpu.memory_space<hbm>>
      %dma_wait3A_117 = arith.constant 0 : i32
      %dma_wait3A_118 = tpu.memref_slice %arg11[%run_scoped3A_96, %dma_wait3A_117] : memref<16x1024xf32, #tpu.memory_space<vmem>> -> memref<1x1024xf32, #tpu.memory_space<vmem>>
      %dma_wait3A_119 = tpu.memref_squeeze %dma_wait3A_118 : memref<1x1024xf32, #tpu.memory_space<vmem>> -> memref<1024xf32, #tpu.memory_space<vmem>>
      tpu.wait_dma2 semaphore(%run_scoped3A_97 : memref<!tpu.dma_semaphore, #tpu.memory_space<semaphore_mem>>) src(%dma_wait3A_119 : memref<1024xf32, #tpu.memory_space<vmem>>) dst(%dma_wait3A_116 : memref<1024xf32, #tpu.memory_space<hbm>>)
      tpu.yield
    }) : () -> ()
    return
  }
}

module attributes {stable_mosaic.version = 14 : i64} {
  func.func @_fin_body(%arg0: memref<32x1024xf32, #tpu.memory_space<vmem>>, %arg1: memref<32x1024xf32, #tpu.memory_space<vmem>>, %arg2: memref<32x1024xf32, #tpu.memory_space<vmem>>, %arg3: memref<1x1xf32, #tpu.memory_space<vmem>>, %arg4: memref<1x1xf32, #tpu.memory_space<vmem>>, %arg5: memref<1x1xf32, #tpu.memory_space<vmem>>) attributes {dimension_semantics = [], scalar_prefetch = 0 : i64, scratch_operands = 0 : i64, tpu.core_type = #tpu.core_type<tc>} {
    %get3A = arith.constant 0 : index
    %get3A_0 = arith.constant 0 : index
    %get3A_1 = vector.load %arg0[%get3A, %get3A_0] : memref<32x1024xf32, #tpu.memory_space<vmem>>, vector<32x1024xf32>
    %reduce_sum3A = arith.constant dense<0.000000e+00> : vector<1024xf32>
    %reduce_sum3A_2 = vector.multi_reduction <add>, %get3A_1, %reduce_sum3A [0] : vector<32x1024xf32> to vector<1024xf32>
    %broadcast_in_dim3A = vector.shape_cast %reduce_sum3A_2 : vector<1024xf32> to vector<1x1024xf32>
    %get3A_3 = arith.constant 0 : index
    %get3A_4 = arith.constant 0 : index
    %get3A_5 = vector.load %arg1[%get3A_3, %get3A_4] : memref<32x1024xf32, #tpu.memory_space<vmem>>, vector<32x1024xf32>
    %reduce_max3A = arith.constant dense<0xFF800000> : vector<1024xf32>
    %reduce_max3A_6 = vector.multi_reduction <maximumf>, %get3A_5, %reduce_max3A [0] : vector<32x1024xf32> to vector<1024xf32>
    %broadcast_in_dim3A_7 = vector.shape_cast %reduce_max3A_6 : vector<1024xf32> to vector<1x1024xf32>
    %get3A_8 = arith.constant 0 : index
    %get3A_9 = arith.constant 0 : index
    %get3A_10 = vector.load %arg2[%get3A_8, %get3A_9] : memref<32x1024xf32, #tpu.memory_space<vmem>>, vector<32x1024xf32>
    %reduce_sum3A_11 = arith.constant dense<0.000000e+00> : vector<1024xf32>
    %reduce_sum3A_12 = vector.multi_reduction <add>, %get3A_10, %reduce_sum3A_11 [0] : vector<32x1024xf32> to vector<1024xf32>
    %broadcast_in_dim3A_13 = vector.shape_cast %reduce_sum3A_12 : vector<1024xf32> to vector<1x1024xf32>
    %add3A = arith.constant 1.000000e+00 : f32
    %add3A_14 = vector.broadcast %add3A : f32 to vector<1x1024xf32>
    %add3A_15 = arith.addf %broadcast_in_dim3A_13, %add3A_14 : vector<1x1024xf32>
    %div3A = arith.divf %broadcast_in_dim3A, %add3A_15 : vector<1x1024xf32>
    %reduce_sum3A_16 = arith.constant dense<0.000000e+00> : vector<1xf32>
    %reduce_sum3A_17 = vector.multi_reduction <add>, %div3A, %reduce_sum3A_16 [1] : vector<1x1024xf32> to vector<1xf32>
    %broadcast_in_dim3A_18 = vector.shape_cast %reduce_sum3A_17 : vector<1xf32> to vector<1x1xf32>
    %div3A_19 = arith.constant 1.024000e+03 : f32
    %div3A_20 = vector.broadcast %div3A_19 : f32 to vector<1x1xf32>
    %div3A_21 = arith.divf %broadcast_in_dim3A_18, %div3A_20 : vector<1x1xf32>
    %swap3A = arith.constant 0 : index
    %swap3A_22 = arith.constant 0 : index
    %swap3A_23 = vector.load %arg3[%swap3A, %swap3A_22] : memref<1x1xf32, #tpu.memory_space<vmem>>, vector<1x1xf32>
    tpu.vector_store %arg3[%swap3A, %swap3A_22], %div3A_21 {strides = array<i32>} : memref<1x1xf32, #tpu.memory_space<vmem>>, vector<1x1xf32>,
    %reduce_sum3A_24 = arith.constant dense<0.000000e+00> : vector<1xf32>
    %reduce_sum3A_25 = vector.multi_reduction <add>, %broadcast_in_dim3A_7, %reduce_sum3A_24 [1] : vector<1x1024xf32> to vector<1xf32>
    %broadcast_in_dim3A_26 = vector.shape_cast %reduce_sum3A_25 : vector<1xf32> to vector<1x1xf32>
    %div3A_27 = arith.constant 1.024000e+03 : f32
    %div3A_28 = vector.broadcast %div3A_27 : f32 to vector<1x1xf32>
    %div3A_29 = arith.divf %broadcast_in_dim3A_26, %div3A_28 : vector<1x1xf32>
    %swap3A_30 = arith.constant 0 : index
    %swap3A_31 = arith.constant 0 : index
    %swap3A_32 = vector.load %arg4[%swap3A_30, %swap3A_31] : memref<1x1xf32, #tpu.memory_space<vmem>>, vector<1x1xf32>
    tpu.vector_store %arg4[%swap3A_30, %swap3A_31], %div3A_29 {strides = array<i32>} : memref<1x1xf32, #tpu.memory_space<vmem>>, vector<1x1xf32>,
    %reduce_sum3A_33 = arith.constant dense<0.000000e+00> : vector<1xf32>
    %reduce_sum3A_34 = vector.multi_reduction <add>, %broadcast_in_dim3A_13, %reduce_sum3A_33 [1] : vector<1x1024xf32> to vector<1xf32>
    %broadcast_in_dim3A_35 = vector.shape_cast %reduce_sum3A_34 : vector<1xf32> to vector<1x1xf32>
    %div3A_36 = arith.constant 1.024000e+03 : f32
    %div3A_37 = vector.broadcast %div3A_36 : f32 to vector<1x1xf32>
    %div3A_38 = arith.divf %broadcast_in_dim3A_35, %div3A_37 : vector<1x1xf32>
    %swap3A_39 = arith.constant 0 : index
    %swap3A_40 = arith.constant 0 : index
    %swap3A_41 = vector.load %arg5[%swap3A_39, %swap3A_40] : memref<1x1xf32, #tpu.memory_space<vmem>>, vector<1x1xf32>
    tpu.vector_store %arg5[%swap3A_39, %swap3A_40], %div3A_38 {strides = array<i32>} : memref<1x1xf32, #tpu.memory_space<vmem>>, vector<1x1xf32>,
    return
  }
}

module attributes {stable_mosaic.version = 14 : i64} {
  func.func @_dist_body(%arg0: i32, %arg1: memref<65x2048xf32, #tpu.memory_space<vmem>>, %arg2: memref<1024x64xf32, #tpu.memory_space<vmem>>, %arg3: memref<1x2048xi32, #tpu.memory_space<vmem>>, %arg4: memref<1x2048xf32, #tpu.memory_space<vmem>>, %arg5: memref<1024x65xf32, #tpu.memory_space<vmem>>) attributes {dimension_semantics = [#tpu.dimension_semantics<arbitrary>], iteration_bounds = array<i64: 32>, scalar_prefetch = 0 : i64, scratch_operands = 1 : i64, tpu.core_type = #tpu.core_type<tc>, window_params = [{transform_indices = @transform_0, window_bounds = array<i64: 65, 2048>}, {pipeline_mode = #tpu.pipeline_mode<synchronous>, transform_indices = @transform_1, window_bounds = array<i64: 1024, 64>}, {transform_indices = @transform_2, window_bounds = array<i64: 1, 2048>}, {transform_indices = @transform_3, window_bounds = array<i64: 1, 2048>}]} {
    %eq3A = arith.constant 0 : i32
    %eq3A_0 = arith.cmpi eq, %arg0, %eq3A : i32
    %convert_element_type3A = arith.extui %eq3A_0 : i1 to i32
    %cond3A = arith.constant 0 : i32
    %cond3A_1 = arith.cmpi ne, %convert_element_type3A, %cond3A : i32
    scf.if %cond3A_1 {
      %get3A_21 = arith.constant 0 : index
      %get3A_22 = arith.constant 0 : index
      %get3A_23 = vector.load %arg2[%get3A_21, %get3A_22] : memref<1024x64xf32, #tpu.memory_space<vmem>>, vector<1024x64xf32>
      %mul3A_24 = arith.constant -2.000000e+00 : f32
      %mul3A_25 = vector.broadcast %mul3A_24 : f32 to vector<1024x64xf32>
      %mul3A_26 = arith.mulf %mul3A_25, %get3A_23 : vector<1024x64xf32>
      %swap3A_27 = arith.constant 0 : index
      %swap3A_28 = arith.constant 0 : index
      %swap3A_29 = vector.load %arg5[%swap3A_27, %swap3A_28] : memref<1024x65xf32, #tpu.memory_space<vmem>>, vector<1024x64xf32>
      tpu.vector_store %arg5[%swap3A_27, %swap3A_28], %mul3A_26 {strides = array<i32>} : memref<1024x65xf32, #tpu.memory_space<vmem>>, vector<1024x64xf32>,
      %mul3A_30 = arith.mulf %get3A_23, %get3A_23 : vector<1024x64xf32>
      %mul3A_31 = arith.constant 2.000000e-06 : f32
      %mul3A_32 = vector.broadcast %mul3A_31 : f32 to vector<1024x64xf32>
      %mul3A_33 = arith.mulf %mul3A_32, %get3A_23 : vector<1024x64xf32>
      %add3A_34 = arith.addf %mul3A_30, %mul3A_33 : vector<1024x64xf32>
      %reduce_sum3A_35 = arith.constant dense<0.000000e+00> : vector<1024xf32>
      %reduce_sum3A_36 = vector.multi_reduction <add>, %add3A_34, %reduce_sum3A_35 [1] : vector<1024x64xf32> to vector<1024xf32>
      %broadcast_in_dim3A_37 = vector.shape_cast %reduce_sum3A_36 : vector<1024xf32> to vector<1024x1xf32>
      %add3A_38 = arith.constant 6.400000e-11 : f32
      %add3A_39 = vector.broadcast %add3A_38 : f32 to vector<1024x1xf32>
      %add3A_40 = arith.addf %broadcast_in_dim3A_37, %add3A_39 : vector<1024x1xf32>
      %swap3A_41 = arith.constant 0 : index
      %swap3A_42 = arith.constant 64 : index
      %swap3A_43 = vector.load %arg5[%swap3A_41, %swap3A_42] : memref<1024x65xf32, #tpu.memory_space<vmem>>, vector<1024x1xf32>
      tpu.vector_store %arg5[%swap3A_41, %swap3A_42], %add3A_40 {strides = array<i32>} : memref<1024x65xf32, #tpu.memory_space<vmem>>, vector<1024x1xf32>,
    } else {
    }
    %get3A = arith.constant 0 : index
    %get3A_2 = arith.constant 0 : index
    %get3A_3 = vector.load %arg1[%get3A, %get3A_2] : memref<65x2048xf32, #tpu.memory_space<vmem>>, vector<65x2048xf32>
    %get3A_4 = arith.constant 0 : index
    %get3A_5 = arith.constant 0 : index
    %get3A_6 = vector.load %arg5[%get3A_4, %get3A_5] : memref<1024x65xf32, #tpu.memory_space<vmem>>, vector<1024x65xf32>
    %dot_general3A = arith.constant dense<0.000000e+00> : vector<1024x2048xf32>
    %dot_general3A_7 = tpu.matmul %get3A_6, %get3A_3, %dot_general3A {dimension_numbers = #tpu.dot_dimension_numbers<[1], [0], [0], [1], [0, 0, 1, 1], [], []>, transpose_lhs_hint = false} : vector<1024x65xf32>, vector<65x2048xf32>, vector<1024x2048xf32> -> vector<1024x2048xf32>
    %reduce_min3A = arith.constant dense<0x7F800000> : vector<2048xf32>
    %reduce_min3A_8 = vector.multi_reduction <minimumf>, %dot_general3A_7, %reduce_min3A [0] : vector<1024x2048xf32> to vector<2048xf32>
    %broadcast_in_dim3A = vector.shape_cast %reduce_min3A_8 : vector<2048xf32> to vector<1x2048xf32>
    %argmin3A = tpu.reduce_index %dot_general3A_7 {axis = 0 : i32, kind = #tpu.reduction_kind<arg_min>} : vector<1024x2048xf32> -> vector<2048xi32>
    %reshape3A = vector.shape_cast %argmin3A : vector<2048xi32> to vector<1x2048xi32>
    %slice3A = vector.extract_strided_slice %get3A_3 {offsets = [0, 0], sizes = [64, 2048], strides = [1, 1]} : vector<65x2048xf32> to vector<64x2048xf32>
    %mul3A = arith.mulf %slice3A, %slice3A : vector<64x2048xf32>
    %mul3A_9 = arith.constant 2.000000e-06 : f32
    %mul3A_10 = vector.broadcast %mul3A_9 : f32 to vector<64x2048xf32>
    %mul3A_11 = arith.mulf %mul3A_10, %slice3A : vector<64x2048xf32>
    %sub3A = arith.subf %mul3A, %mul3A_11 : vector<64x2048xf32>
    %reduce_sum3A = arith.constant dense<0.000000e+00> : vector<2048xf32>
    %reduce_sum3A_12 = vector.multi_reduction <add>, %sub3A, %reduce_sum3A [0] : vector<64x2048xf32> to vector<2048xf32>
    %broadcast_in_dim3A_13 = vector.shape_cast %reduce_sum3A_12 : vector<2048xf32> to vector<1x2048xf32>
    %swap3A = arith.constant 0 : index
    %swap3A_14 = arith.constant 0 : index
    %swap3A_15 = vector.load %arg3[%swap3A, %swap3A_14] : memref<1x2048xi32, #tpu.memory_space<vmem>>, vector<1x2048xi32>
    tpu.vector_store %arg3[%swap3A, %swap3A_14], %reshape3A {strides = array<i32>} : memref<1x2048xi32, #tpu.memory_space<vmem>>, vector<1x2048xi32>,
    %add3A = arith.addf %broadcast_in_dim3A, %broadcast_in_dim3A_13 : vector<1x2048xf32>
    %max3A = arith.constant 0.000000e+00 : f32
    %max3A_16 = vector.broadcast %max3A : f32 to vector<1x2048xf32>
    %max3A_17 = arith.maximumf %add3A, %max3A_16 : vector<1x2048xf32>
    %sqrt3A = math.sqrt %max3A_17 : vector<1x2048xf32>
    %swap3A_18 = arith.constant 0 : index
    %swap3A_19 = arith.constant 0 : index
    %swap3A_20 = vector.load %arg4[%swap3A_18, %swap3A_19] : memref<1x2048xf32, #tpu.memory_space<vmem>>, vector<1x2048xf32>
    tpu.vector_store %arg4[%swap3A_18, %swap3A_19], %sqrt3A {strides = array<i32>} : memref<1x2048xf32, #tpu.memory_space<vmem>>, vector<1x2048xf32>,
    return
  }
  func.func @transform_0(%arg0: i32) -> (i32, i32) {
    %add3A = arith.constant 0 : i32
    %add3A_0 = arith.addi %add3A, %arg0 : i32
    %c0_i32 = arith.constant 0 : i32
    %c0_i32_1 = arith.constant 0 : i32
    return %c0_i32, %add3A_0 : i32, i32
  }
  func.func @transform_1(%arg0: i32) -> (i32, i32) {
    %c0_i32 = arith.constant 0 : i32
    %c0_i32_0 = arith.constant 0 : i32
    %c0_i32_1 = arith.constant 0 : i32
    return %c0_i32, %c0_i32_0 : i32, i32
  }
  func.func @transform_2(%arg0: i32) -> (i32, i32) {
    %c0_i32 = arith.constant 0 : i32
    %c0_i32_0 = arith.constant 0 : i32
    return %c0_i32, %arg0 : i32, i32
  }
  func.func @transform_3(%arg0: i32) -> (i32, i32) {
    %c0_i32 = arith.constant 0 : i32
    %c0_i32_0 = arith.constant 0 : i32
    return %c0_i32, %arg0 : i32, i32
  }
}

</mosaic_0001>

<sc_bundles>
// kernel: kernel.5.cloned.1.call-start
scs
__scs_entry_jumppad:
0x0: {  	(pc) =	sbr.rel $0x88, $3  }
0x1: {  	(tag) =	ssettag $0x0;
	lr =	simm.s32 $0x1  }
0x2: {  	[smem:$0x3F9F] =	sst lr;
	_ =	strace $0xD0000000  }
0x3: {  	_ = 	snop  }
0x4: {  	_ = 	snop  }
0x5: {  	_ = 	snop  }
0x6: {  	_ = 	snop  }
0x7: {  	_ = 	snop  }
__scs_overlays_trampoline_lowered:
0x8: {  	[smem:$0x3FAE] =	sst s0  }
0x9: {  	[smem:$0x3FAF] =	sst s1  }
0xa: {  	[smem:$0x3FB0] =	sst s2  }
0xb: {  	[smem:$0x3FB1] =	sst s3  }
0xc: {  	[smem:$0x3FB2] =	sst s4  }
0xd: {  	[smem:$0x3FB3] =	sst s5  }
0xe: {  	[smem:$0x3FB4] =	sst s6  }
0xf: {  	[smem:$0x3FB5] =	sst s7  }
0x10: {  	[smem:$0x3FB6] =	sst s8  }
0x11: {  	[smem:$0x3FB7] =	sst s9;
	s0 =	simm.s32 @!p0 $0x0  }
0x12: {  	s1 =	sld [smem:$0x3F9D];
	s0 =	simm.s32 @p0 $0x1  }
0x13: {  	[smem:$0x3FB8] =	sst s0;
	s0 =	simm.s32 @!p1 $0x0  }
0x14: {  	s2 =	sld [smem:$0x3F9C];
	s0 =	simm.s32 @p1 $0x1  }
0x15: {  	[smem:$0x3FB9] =	sst s0;
	s0 =	simm.s32 @!p2 $0x0  }
0x16: {  	s3 =	sld [smem:$0x3FDB];
	s0 =	simm.s32 @p2 $0x1  }
0x17: {  	s4 =	simm.s32 $0x1BF5;
	[smem:$0x3FBB] =	sst s0  }
0x18: {  	s0 =	sld [smem:$0x3F9E];
	_ =	swait.ge [sflag:s4], $0x0  }
0x19: {  	s7 =	sld [smem:$0x3F9F]  }
0x1a: {  	s8 =	sadd.s32 $0xFFFFE003, lr  }
0x1b: {  	s9 =	sadd.s32 $0xFFFFFEF7, lr;
	s5 =	simm.s32 $0xFFFFFFFF;
	p2 =	slt.u32 s8, $0xFFFFF086  }
0x1c: {  	p1 =	slt.u32 s9, $0xF7A;
	s5 =	simm.s32 @!p2 $0x0  }
0x1d: {  	s5 =	simm.s32 @p1 $0x1;
	p0 =	seq.s32 s7, s2  }
0x1e: {  	s7 =	smul.u32 @!p0 $0xF7A, s2;
	p2 =	seq.s32 @!p0 s5, $0x0  }
0x1f: {  	s9 =	smul.u32 $0xF7A, s1;
	s8 =	simm.s32 @!p0 $0x1BF5;
	p2 =	por !p2, p0  }
0x20: {  	[sflag:s8] =	ssyncset.s32 @!p0 $0xFFFFF086;
	s6 =	sadd.s32 @!p0 s3, s7;
	s7 =	simm.s32 @!p0 $0x108  }
0x21: {  	s3 =	sadd.s32 s3, s9;
	s6 =	sadd.s32 @!p0 $0x88, s6;
	s7 =	simm.s32 @p2 $0x1082  }
0x22: {  	[simem:s7], [sflag:s8] =	dma.local @!p0 [hbm:s6], $0xF7A  }
0x23: {  	s9 =	sor.u32 $0xD0000000, s2;
	s6 =	simm.s32 $0x108;
	_ =	swait.ge @!p0 [sflag:s8], $0x0  }
0x24: {  	s3 =	sadd.s32 $0x88, s3;
	s6 =	simm.s32 @!p1 $0x1082;
	[sflag:s4] =	ssyncset.s32 $0xFFFFF086  }
0x25: {  	[simem:s6], [sflag:s4] =	dma.local [hbm:s3], $0xF7A  }
0x26: {  	[smem:$0x3F9F] =	sst s1;
	(tag) =	ssettag s2;
	_ =	strace s9  }
0x27: {  	s1 =	sld [smem:$0x3FAF]  }
0x28: {  	s2 =	sld [smem:$0x3FB0]  }
0x29: {  	s4 =	sld [smem:$0x3FB2]  }
0x2a: {  	p0 =	seq.s32 s5, $0x0;
	s5 =	sld [smem:$0x3FB3]  }
0x2b: {  	s6 =	sld [smem:$0x3FB4]  }
0x2c: {  	s7 =	sld [smem:$0x3FB5]  }
0x2d: {  	s3 =	simm.s32 $0x108;
	s8 =	sld [smem:$0x3FB6]  }
0x2e: {  	s3 =	simm.s32 @!p0 $0x1082;
	s9 =	sld [smem:$0x3FB7]  }
0x2f: {  	lr =	sadd.s32 s0, s3;
	s0 =	sld [smem:$0x3FAE]  }
0x30: {  	s3 =	sld [smem:$0x3FB1]  }
0x31: {  	[smem:$0x3FBA] =	sst s10  }
0x32: {  	s10 =	sld [smem:$0x3FB8];
	_ =	sdelay $0x3  }
0x33: {  	p0 =	seq.s32 s10, $0x1;
	s10 =	sld [smem:$0x3FBA];
	_ =	sdelay $0x3  }
0x34: {  	[smem:$0x3FBA] =	sst s10  }
0x35: {  	s10 =	sld [smem:$0x3FB9];
	_ =	sdelay $0x3  }
0x36: {  	p1 =	seq.s32 s10, $0x1;
	s10 =	sld [smem:$0x3FBA];
	_ =	sdelay $0x3  }
0x37: {  	[smem:$0x3FBA] =	sst s10  }
0x38: {  	s10 =	sld [smem:$0x3FBB]  }
0x39: {  	_ = 	snop;
	(pc) =	sbr.ind lr, $3  }
0x3a: {  	_ = 	snop  }
0x3b: {  	_ = 	snop  }
0x3c: {  	p2 =	seq.s32 s10, $0x1;
	s10 =	sld [smem:$0x3FBA]  }
0x3d: {  	_ =	shalt  }
0x3e: {  	_ =	shalt  }
0x3f: {  	_ =	shalt  }
0x40: {  	_ =	shalt  }
0x41: {  	_ =	shalt  }
0x42: {  	_ =	shalt  }
0x43: {  	_ =	shalt  }
0x44: {  	_ =	shalt  }
0x45: {  	_ =	shalt  }
0x46: {  	_ =	shalt  }
0x47: {  	_ =	shalt  }
0x48: {  	_ =	shalt  }
0x49: {  	_ =	shalt  }
0x4a: {  	_ =	shalt  }
0x4b: {  	_ =	shalt  }
0x4c: {  	_ =	shalt  }
0x4d: {  	_ =	shalt  }
0x4e: {  	_ =	shalt  }
0x4f: {  	_ =	shalt  }
0x50: {  	_ =	shalt  }
0x51: {  	_ =	shalt  }
0x52: {  	_ =	shalt  }
0x53: {  	_ =	shalt  }
0x54: {  	_ =	shalt  }
0x55: {  	_ =	shalt  }
0x56: {  	_ =	shalt  }
0x57: {  	_ =	shalt  }
0x58: {  	_ =	shalt  }
0x59: {  	_ =	shalt  }
0x5a: {  	_ =	shalt  }
0x5b: {  	_ =	shalt  }
0x5c: {  	_ =	shalt  }
0x5d: {  	_ =	shalt  }
0x5e: {  	_ =	shalt  }
0x5f: {  	_ =	shalt  }
0x60: {  	_ =	shalt  }
0x61: {  	_ =	shalt  }
0x62: {  	_ =	shalt  }
0x63: {  	_ =	shalt  }
0x64: {  	_ =	shalt  }
0x65: {  	_ =	shalt  }
0x66: {  	_ =	shalt  }
0x67: {  	_ =	shalt  }
0x68: {  	_ =	shalt  }
0x69: {  	_ =	shalt  }
0x6a: {  	_ =	shalt  }
0x6b: {  	_ =	shalt  }
0x6c: {  	_ =	shalt  }
0x6d: {  	_ =	shalt  }
0x6e: {  	_ =	shalt  }
0x6f: {  	_ =	shalt  }
0x70: {  	_ =	shalt  }
0x71: {  	_ =	shalt  }
0x72: {  	_ =	shalt  }
0x73: {  	_ =	shalt  }
0x74: {  	_ =	shalt  }
0x75: {  	_ =	shalt  }
0x76: {  	_ =	shalt  }
0x77: {  	_ =	shalt  }
0x78: {  	_ =	shalt  }
0x79: {  	_ =	shalt  }
0x7a: {  	_ =	shalt  }
0x7b: {  	_ =	shalt  }
0x7c: {  	_ =	shalt  }
0x7d: {  	_ =	shalt  }
0x7e: {  	_ =	shalt  }
0x7f: {  	_ =	shalt  }
0x80: {  	_ =	shalt  }
0x81: {  	_ =	shalt  }
0x82: {  	_ =	shalt  }
0x83: {  	_ =	shalt  }
0x84: {  	_ =	shalt  }
0x85: {  	_ =	shalt  }
0x86: {  	_ =	shalt  }
0x87: {  	_ =	shalt  }
.Lfunc_end0:
.L_simem_size_0:
called_computation_lowered:
.L_overlay_start_0:
0x88: {  	s2 =	sld [smem:$0x3FD9]  }
0x89: {  	s3 =	sld [smem:$0x3FFE];
	_ =	sdelay $0x1  }
0x8a: {  	s1 =	srdreg.scid  }
0x8b: {  	s0 =	sand.u32 $0x1, s1  }
0x8c: {  	s16 =	sshll.u32 s0, $0xA;
	s2 =	sadd.s32 s3, s2  }
0x8d: {  	s2 =	sadd.s32 s2, s16  }
0x8e: {  	[smem:$0x3FC6] =	sst s2  }
0x8f: {  	_ = 	snop  }
0x90: {  	(tm) =	ssettm $0x1  }
0x91: {  	s17 =	sld [smem:$0x3FFB];
	_ =	sdelay $0x3  }
0x92: {  	_ =	strace s17  }
0x93: {  	s2 =	sld [smem:$0x3FFC];
	_ =	sdelay $0x3  }
0x94: {  	_ =	strace s2  }
0x95: {  	s2 =	sld [smem:$0x3FFD];
	_ =	sdelay $0x3  }
0x96: {  	_ =	strace s2  }
0x97: {  	_ =	strace $0x8FFFFFFF  }
0x98: {  	s18 =	sld [smem:$0x3FDB];
	_ =	sdelay $0x1  }
0x99: {  	s19 =	simm.s32 $_scs_section_size  }
0x9a: {  	s4 =	simm.s32 $_size__tile_overlayer_lowered;
	s5 =	simm.s32 $_tile_overlayer_lowered  }
0x9b: {  	s22 =	simm.s32 $0x1BFF;
	s21 =	sshll.u32 s5, $0x1;
	s2 =	sadd.s32 s19, s18  }
0x9c: {  	s6 =	simm.s32 $0x0;
	s20 =	sshll.u32 s4, $0x1;
	s4 =	sadd.s32 s21, s2  }
0x9d: {  	[timem:s6], [sflag:s22] =	dma.local [hbm:s4], s20  }
0x9e: {  	_ =	swait.ge [sflag:s22], s20  }
0x9f: {  	s3 =	ssub.s32 $0x0, s20;
	[sflag:s22] =	ssyncset.done $0x0  }
0xa0: {  	[sflag:s22] =	ssyncadd.s32 s3;
	_ =	sdelay $0x1  }
0xa1: {  	s23 =	simm.s32 $0x1B8B  }
0xa2: {  	_ =	swait.ge [sflag:s23], $0x1  }
0xa3: {  	[sflag:s23] =	ssyncset.done $0x0  }
0xa4: {  	s25 =	simm.s32 $0x1B8E;
	s24 =	sld [smem:$0x3FFE];
	[sflag:s23] =	ssyncadd.s32 $0xFFFFFFFF  }
0xa5: {  	s26 =	simm.s32 $execute0_lowered;
	[smem:$0x3FD2] =	sst s25  }
0xa6: {  	s4 =	sshll.u32 s26, $0x1;
	_ =	strace $0x80000046;
	[dreg:$0x1] =	wrdreg $0xFFFFFFFF  }
0xa7: {  	s28 =	simm.s32 $_size_execute0_lowered;
	s2 =	sadd.s32 s2, s4;
	[dreg:$0x0] =	wrdreg $0x0  }
0xa8: {  	s4 =	sshll.u32 s28, $0x1;
	[dreg:$0x2] =	wrdreg s2  }
0xa9: {  	[dreg:$0x3] =	wrdreg s4  }
0xaa: {  	[dreg:$0x4] =	wrdreg $0xC0  }
0xab: {  	_ =	task [dreg:s6], $0x5FFFF  }
0xac: {  	[dreg:$0x1] =	wrdreg $0xFFFFFFFF  }
0xad: {  	[dreg:$0x0] =	wrdreg $0x60  }
0xae: {  	[dreg:$0x2] =	wrdreg s24  }
0xaf: {  	[dreg:$0x3] =	wrdreg $0x9  }
0xb0: {  	_ =	task.clear_ibuf [dreg:s6], $0x4FFFF;
	_ =	strace $0x90000046  }
0xb1: {  	s29 =	simm.s32 $0x9;
	_ =	strace $0x80000048  }
0xb2: {  	_ =	swait.ge [sflag:s29], $0x1  }
0xb3: {  	[sflag:s29] =	ssyncadd.s32 $0xFFFFFFFF  }
0xb4: {  	_ =	strace $0x90000048  }
0xb5: {  	_ =	sfence  }
0xb6: {  	s30 =	sld [smem:$0x0];
	_ =	sdelay $0x2  }
0xb7: {  	s31 =	sshll.u32 s1, $0xD;
	s1 =	sshrl.u32 s1, $0x2  }
0xb8: {  	s3 =	sand.u32 $0x4000, s31;
	s1 =	sadd.s32 s1, s30  }
0xb9: {  	s0 =	sor.u32 s3, s0;
	s1 =	sshll.u32 s1, $0x11  }
0xba: {  	s0 =	sor.u32 s1, s0  }
0xbb: {  	s0 =	sadd.s32 $0x8F2B, s0  }
0xbc: {  	[sflag:s0] =	ssyncadd.remote.s32 $0x1  }
0xbd: {  	_ =	sfence.sel $0xFFFF  }
0xbe: {  	[dreg:$0x0] =	wrdreg $0xFFFFFFFF;
	(pc) =	sbr.abs _section_cstart, $3  }
0xbf: {  	[dreg:$0x1] =	wrdreg $0xFFFFFFFF  }
0xc0: {  	_ =	task.clear_ibuf [dreg:s6], $0x2FFFF;
	_ =	strace $0x9FFFFFFF  }
0xc1: {  	(tm) =	ssettm $0x7FFFFFFF  }
tec
execute0_lowered:
.L_overlay_start_1:
0x0: {  	(tag) =	ssettag $0x1  }
0x1: {  	v0 =	vimm.s32 $0x2380;
	vm0 =	vcmask $0x300  }
0x2: {  	s0 =	srdreg.scid;
	vm14 =	vcmask $0x704;
	v0 =	vsel vm0, $0x0, v0  }
0x3: {  	s1 =	rddreg [dreg:$0x0];
	s5 =	stileid.u32;
	vm15 =	vcmask $0xB08;
	v0 =	vsel vm14, $0x80, v0  }
0x4: {  	s2 =	simm.s32 $0x0;
	vm4 =	vcmask $0xF0C;
	s9 =	simm.s32 $0x1;
	s11 =	simm.s32 $0x1000;
	v0 =	vsel vm15, $0x100, v0  }
0x5: {  	vm5 =	vcmask $0x1310;
	s12 =	simm.s32 $0x9000;
	s13 =	simm.s32 $0x5000;
	s23 =	simm.s32 $0x5C00;
	v0 =	vsel vm4, $0x180, v0  }
0x6: {  	vm6 =	vcmask $0x1714;
	s24 =	simm.s32 $0x6000;
	s25 =	simm.s32 $0x6400;
	s28 =	simm.s32 $0x6C00;
	v0 =	vsel vm5, $0x200, v0  }
0x7: {  	vm7 =	vcmask $0x1B18;
	s29 =	simm.s32 $0x9400;
	s30 =	simm.s32 $0x9800;
	s31 =	simm.s32 $0x9C00;
	v0 =	vsel vm6, $0x280, v0  }
0x8: {  	vm8 =	vcmask $0x1F1C;
	s10 =	simm.s32 $0xA800;
	s14 =	simm.s32 $0xAC00;
	s0 =	sand.u32 $0x1, s0;
	v0 =	vsel vm7, $0x300, v0  }
0x9: {  	vm9 =	vcmask $0x2320;
	s15 =	simm.s32 $0x0;
	[smem:$0x7FF] =	sst s2;
	s3 =	sshll.u32 s0, $0x4;
	v0 =	vsel vm8, $0x380, v0  }
0xa: {  	vm10 =	vcmask $0x2724;
	_ =	strace $0x80000047;
	s0 =	ssub.s32 $0x2, s0;
	s3 =	sor.u32 s5, s3;
	v0 =	vsel vm9, $0x2000, v0  }
0xb: {  	vm11 =	vcmask $0x2B28;
	s5 =	sshll.u32 s5, $0x4;
	s26 =	sshrl.u32 s0, $0x1;
	s4 =	sshll.u32 s3, $0x7;
	v0 =	vsel vm10, $0x2080, v0  }
0xc: {  	vm12 =	vcmask $0x2F2C;
	s3 =	sshll.u32 s3, $0x8;
	s0 =	ssub.s32 s0, s26;
	s4 =	sor.u32 s5, s4;
	v0 =	vsel vm11, $0x2100, v0  }
0xd: {  	vm13 =	vcmask $0x3330;
	s26 =	simm.s32 $0x6800;
	s6 =	sadd.s32 s3, s1;
	s4 =	sand.u32 $0xC70, s4;
	v0 =	vsel vm12, $0x2180, v0  }
0xe: {  	vm14 =	vcmask $0x3734;
	s8 =	smax.u32 s0, $0x1;
	s0 =	simm.s32 $0xA000;
	s1 =	sadd.s32 s4, s1;
	v0 =	vsel vm13, $0x2200, v0  }
0xf: {  	vm15 =	vcmask $0x3B38;
	s3 =	sadd.s32 $0x1600, s6;
	s4 =	sadd.s32 $0x3600, s6;
	s5 =	sadd.s32 $0x5600, s1;
	v1 =	vsel vm14, $0x2280, v0  }
0x10: {  	v2 =	vimm.f32 $1.000000000e+00;
	s6 =	sadd.s32 $0x6600, s1;
	s7 =	sadd.s32 $0x7600, s1;
	s1 =	simm.s32 $0xA400;
	v0 =	vimm.f32 $0.0e+00;
	v1 =	vsel vm15, $0x2300, v1  }
.LBB2_1:
0x11: {  	[tilespmem:s2], [sflag:$0x1] =	stream.linear.gather [hbm4b:s3+s2], $0x800, $0x38;
	[tilespmem:$0xD000] =	vst v63  }
0x12: {  	_ =	swait.ge [sflag:s9], $0x800  }
0x13: {  	[sflag:s9] =	ssyncset.done $0x0  }
0x14: {  	s16 =	simm.s32 $0x800;
	[sflag:s9] =	ssyncadd.s32 $0xFFFFF800  }
0x15: {  	[tilespmem:s16], [sflag:$0x1] =	stream.linear.gather [hbm4b:s4+s2], $0x800, $0x38;
	[tilespmem:$0xD000] =	vst v63  }
0x16: {  	_ =	swait.ge [sflag:s9], $0x800  }
0x17: {  	s22 =	sand.u32 $0x70, s2;
	s17 =	sand.u32 $0x1C00, s2;
	[sflag:s9] =	ssyncset.done $0x0  }
0x18: {  	s16 =	sor.u32 s22, s17;
	[sflag:s9] =	ssyncadd.s32 $0xFFFFF800  }
0x19: {  	[tilespmem:s16+$0x9000] =	vst v0  }
0x1a: {  	[tilespmem:s16+$0x1000] =	vst v0  }
0x1b: {  	s18 =	simm.s32 $0x0;
	s17 =	simm.s32 $0x10;
	[tilespmem:s16+$0x5000] =	vst v0  }
.LBB2_2:
0x1c: {  	s16 =	sand.u32 $0x70, s17;
	s18 =	sadd.s32 $0x80, s18;
	p0 =	sne.s32 s17, $0x3F0  }
.Ltmp0:
0x1d: {  	s17 =	sadd.s32 $0x10, s17;
	s19 =	sand.u32 $0x1C00, s18;
	(pc) =	sbr.rel @p0 .LBB2_2-.Ltmp0, $4  }
0x1e: {  	s19 =	sor.u32 s16, s19  }
0x1f: {  	s16 =	simm.s32 $0x0;
	[tilespmem:s19+$0x9000] =	vst v0  }
0x20: {  	[tilespmem:s19+$0x1000] =	vst v0  }
0x21: {  	[tilespmem:s19+$0x5000] =	vst v0  }
0x22: {  	s17 =	sand.u32 $0x70, s16;
	s18 =	sand.u32 $0x1C00, s16  }
0x23: {  	s17 =	sor.u32 s18, s17  }
0x24: {  	[tilespmem:s17+$0x9080] =	vst v0  }
0x25: {  	[tilespmem:s17+$0x1080] =	vst v0  }
0x26: {  	s19 =	simm.s32 $0x0;
	s18 =	simm.s32 $0x10;
	[tilespmem:s17+$0x5080] =	vst v0  }
.LBB2_4:
0x27: {  	s20 =	sand.u32 $0x70, s18;
	s19 =	sadd.s32 $0x80, s19;
	p0 =	sne.s32 s18, $0x3F0  }
.Ltmp1:
0x28: {  	s18 =	sadd.s32 $0x10, s18;
	s21 =	sand.u32 $0x1C00, s19;
	(pc) =	sbr.rel @p0 .LBB2_4-.Ltmp1, $4  }
0x29: {  	s20 =	sor.u32 s21, s20  }
0x2a: {  	[tilespmem:s20+$0x9080] =	vst v0  }
0x2b: {  	[tilespmem:s20+$0x1080] =	vst v0  }
0x2c: {  	[tilespmem:s20+$0x5080] =	vst v0  }
0x2d: {  	[tilespmem:s17+$0x9100] =	vst v0  }
0x2e: {  	[tilespmem:s17+$0x1100] =	vst v0  }
0x2f: {  	s18 =	simm.s32 $0x10;
	[tilespmem:s17+$0x5100] =	vst v0  }
.LBB2_6:
0x30: {  	s17 =	sand.u32 $0x70, s18;
	s16 =	sadd.s32 $0x80, s16;
	p0 =	sne.s32 s18, $0x3F0  }
.Ltmp2:
0x31: {  	s18 =	sadd.s32 $0x10, s18;
	s19 =	sand.u32 $0x1C00, s16;
	(pc) =	sbr.rel @p0 .LBB2_6-.Ltmp2, $4  }
0x32: {  	s19 =	sor.u32 s19, s17  }
0x33: {  	s17 =	simm.s32 $0x0;
	[tilespmem:s19+$0x9100] =	vst v0  }
0x34: {  	[tilespmem:s19+$0x1100] =	vst v0  }
0x35: {  	[tilespmem:s19+$0x5100] =	vst v0  }
0x36: {  	s16 =	sand.u32 $0x70, s17;
	s18 =	sand.u32 $0x1C00, s17  }
0x37: {  	s16 =	sor.u32 s18, s16  }
0x38: {  	[tilespmem:s16+$0x9180] =	vst v0  }
0x39: {  	[tilespmem:s16+$0x1180] =	vst v0  }
0x3a: {  	s19 =	simm.s32 $0x0;
	s18 =	simm.s32 $0x10;
	[tilespmem:s16+$0x5180] =	vst v0  }
.LBB2_8:
0x3b: {  	s20 =	sand.u32 $0x70, s18;
	s19 =	sadd.s32 $0x80, s19;
	p0 =	sne.s32 s18, $0x3F0  }
.Ltmp3:
0x3c: {  	s18 =	sadd.s32 $0x10, s18;
	s21 =	sand.u32 $0x1C00, s19;
	(pc) =	sbr.rel @p0 .LBB2_8-.Ltmp3, $4  }
0x3d: {  	s20 =	sor.u32 s21, s20  }
0x3e: {  	[tilespmem:s20+$0x9180] =	vst v0  }
0x3f: {  	[tilespmem:s20+$0x1180] =	vst v0  }
0x40: {  	[tilespmem:s20+$0x5180] =	vst v0  }
0x41: {  	[tilespmem:s16+$0x9200] =	vst v0  }
0x42: {  	[tilespmem:s16+$0x1200] =	vst v0  }
0x43: {  	s19 =	simm.s32 $0x10;
	[tilespmem:s16+$0x5200] =	vst v0  }
.LBB2_10:
0x44: {  	s16 =	sand.u32 $0x70, s19;
	s17 =	sadd.s32 $0x80, s17;
	p0 =	sne.s32 s19, $0x3F0  }
.Ltmp4:
0x45: {  	s19 =	sadd.s32 $0x10, s19;
	s18 =	sand.u32 $0x1C00, s17;
	(pc) =	sbr.rel @p0 .LBB2_10-.Ltmp4, $4  }
0x46: {  	s16 =	sor.u32 s18, s16  }
0x47: {  	s18 =	simm.s32 $0x0;
	[tilespmem:s16+$0x9200] =	vst v0  }
0x48: {  	[tilespmem:s16+$0x1200] =	vst v0  }
0x49: {  	[tilespmem:s16+$0x5200] =	vst v0  }
0x4a: {  	s16 =	sand.u32 $0x70, s18;
	s17 =	sand.u32 $0x1C00, s18  }
0x4b: {  	s16 =	sor.u32 s17, s16  }
0x4c: {  	[tilespmem:s16+$0x9280] =	vst v0  }
0x4d: {  	[tilespmem:s16+$0x1280] =	vst v0  }
0x4e: {  	s19 =	simm.s32 $0x0;
	s17 =	simm.s32 $0x10;
	[tilespmem:s16+$0x5280] =	vst v0  }
.LBB2_12:
0x4f: {  	s20 =	sand.u32 $0x70, s17;
	s19 =	sadd.s32 $0x80, s19;
	p0 =	sne.s32 s17, $0x3F0  }
.Ltmp5:
0x50: {  	s17 =	sadd.s32 $0x10, s17;
	s21 =	sand.u32 $0x1C00, s19;
	(pc) =	sbr.rel @p0 .LBB2_12-.Ltmp5, $4  }
0x51: {  	s20 =	sor.u32 s21, s20  }
0x52: {  	[tilespmem:s20+$0x9280] =	vst v0  }
0x53: {  	[tilespmem:s20+$0x1280] =	vst v0  }
0x54: {  	[tilespmem:s20+$0x5280] =	vst v0  }
0x55: {  	[tilespmem:s16+$0x9300] =	vst v0  }
0x56: {  	[tilespmem:s16+$0x1300] =	vst v0  }
0x57: {  	s17 =	simm.s32 $0x10;
	[tilespmem:s16+$0x5300] =	vst v0  }
.LBB2_14:
0x58: {  	s16 =	sand.u32 $0x70, s17;
	s18 =	sadd.s32 $0x80, s18;
	p0 =	sne.s32 s17, $0x3F0  }
.Ltmp6:
0x59: {  	s17 =	sadd.s32 $0x10, s17;
	s19 =	sand.u32 $0x1C00, s18;
	(pc) =	sbr.rel @p0 .LBB2_14-.Ltmp6, $4  }
0x5a: {  	s19 =	sor.u32 s19, s16  }
0x5b: {  	s16 =	simm.s32 $0x0;
	[tilespmem:s19+$0x9300] =	vst v0  }
0x5c: {  	[tilespmem:s19+$0x1300] =	vst v0  }
0x5d: {  	[tilespmem:s19+$0x5300] =	vst v0  }
0x5e: {  	s18 =	sor.u32 s16, s16  }
0x5f: {  	s17 =	simm.s32 $0x10;
	s19 =	simm.s32 $0x0;
	s18 =	sor.u32 $0x380, s18  }
.LBB2_16:
0x60: {  	p0 =	sne.s32 s17, $0x3F0  }
0x61: {  	[tilespmem:s18+$0x9000] =	vst v0;
	s19 =	sadd.s32 $0x80, s19;
	s20 =	smov.u32 s17;
	s17 =	sadd.s32 $0x10, s17  }
.Ltmp7:
0x62: {  	[tilespmem:s18+$0x1000] =	vst v0;
	(pc) =	sbr.rel @p0 .LBB2_16-.Ltmp7, $3  }
0x63: {  	[tilespmem:s18+$0x5000] =	vst v0;
	_ =	sdelay $0x1  }
0x64: {  	s18 =	sor.u32 s19, s20  }
0x65: {  	s18 =	sor.u32 $0x380, s18  }
0x66: {  	[tilespmem:s18+$0x9000] =	vst v0  }
0x67: {  	[tilespmem:s18+$0x1000] =	vst v0;
	s17 =	sand.u32 $0x70, s16;
	s19 =	sand.u32 $0x1C00, s16  }
0x68: {  	[tilespmem:s18+$0x5000] =	vst v0;
	s17 =	sor.u32 s19, s17  }
0x69: {  	[tilespmem:s17+$0xB000] =	vst v0  }
0x6a: {  	[tilespmem:s17+$0x3000] =	vst v0  }
0x6b: {  	s18 =	simm.s32 $0x10;
	[tilespmem:s17+$0x7000] =	vst v0  }
.LBB2_18:
0x6c: {  	s17 =	sand.u32 $0x70, s18;
	s16 =	sadd.s32 $0x80, s16;
	p0 =	sne.s32 s18, $0x3F0  }
.Ltmp8:
0x6d: {  	s18 =	sadd.s32 $0x10, s18;
	s19 =	sand.u32 $0x1C00, s16;
	(pc) =	sbr.rel @p0 .LBB2_18-.Ltmp8, $4  }
0x6e: {  	s19 =	sor.u32 s19, s17  }
0x6f: {  	s17 =	simm.s32 $0x0;
	[tilespmem:s19+$0xB000] =	vst v0  }
0x70: {  	[tilespmem:s19+$0x3000] =	vst v0  }
0x71: {  	[tilespmem:s19+$0x7000] =	vst v0  }
0x72: {  	s16 =	sand.u32 $0x70, s17;
	s18 =	sand.u32 $0x1C00, s17  }
0x73: {  	s16 =	sor.u32 s18, s16  }
0x74: {  	[tilespmem:s16+$0xB080] =	vst v0  }
0x75: {  	[tilespmem:s16+$0x3080] =	vst v0  }
0x76: {  	s19 =	simm.s32 $0x0;
	s18 =	simm.s32 $0x10;
	[tilespmem:s16+$0x7080] =	vst v0  }
.LBB2_20:
0x77: {  	s20 =	sand.u32 $0x70, s18;
	s19 =	sadd.s32 $0x80, s19;
	p0 =	sne.s32 s18, $0x3F0  }
.Ltmp9:
0x78: {  	s18 =	sadd.s32 $0x10, s18;
	s21 =	sand.u32 $0x1C00, s19;
	(pc) =	sbr.rel @p0 .LBB2_20-.Ltmp9, $4  }
0x79: {  	s20 =	sor.u32 s21, s20  }
0x7a: {  	[tilespmem:s20+$0xB080] =	vst v0  }
0x7b: {  	[tilespmem:s20+$0x3080] =	vst v0  }
0x7c: {  	[tilespmem:s20+$0x7080] =	vst v0  }
0x7d: {  	[tilespmem:s16+$0xB100] =	vst v0  }
0x7e: {  	[tilespmem:s16+$0x3100] =	vst v0  }
0x7f: {  	s18 =	simm.s32 $0x10;
	[tilespmem:s16+$0x7100] =	vst v0  }
.LBB2_22:
0x80: {  	s16 =	sand.u32 $0x70, s18;
	s17 =	sadd.s32 $0x80, s17;
	p0 =	sne.s32 s18, $0x3F0  }
.Ltmp10:
0x81: {  	s18 =	sadd.s32 $0x10, s18;
	s19 =	sand.u32 $0x1C00, s17;
	(pc) =	sbr.rel @p0 .LBB2_22-.Ltmp10, $4  }
0x82: {  	s19 =	sor.u32 s19, s16  }
0x83: {  	s16 =	simm.s32 $0x0;
	[tilespmem:s19+$0xB100] =	vst v0  }
0x84: {  	[tilespmem:s19+$0x3100] =	vst v0  }
0x85: {  	[tilespmem:s19+$0x7100] =	vst v0  }
0x86: {  	s17 =	sand.u32 $0x70, s16;
	s18 =	sand.u32 $0x1C00, s16  }
0x87: {  	s17 =	sor.u32 s18, s17  }
0x88: {  	[tilespmem:s17+$0xB180] =	vst v0  }
0x89: {  	[tilespmem:s17+$0x3180] =	vst v0  }
0x8a: {  	s19 =	simm.s32 $0x0;
	s18 =	simm.s32 $0x10;
	[tilespmem:s17+$0x7180] =	vst v0  }
.LBB2_24:
0x8b: {  	s20 =	sand.u32 $0x70, s18;
	s19 =	sadd.s32 $0x80, s19;
	p0 =	sne.s32 s18, $0x3F0  }
.Ltmp11:
0x8c: {  	s18 =	sadd.s32 $0x10, s18;
	s21 =	sand.u32 $0x1C00, s19;
	(pc) =	sbr.rel @p0 .LBB2_24-.Ltmp11, $4  }
0x8d: {  	s20 =	sor.u32 s21, s20  }
0x8e: {  	[tilespmem:s20+$0xB180] =	vst v0  }
0x8f: {  	[tilespmem:s20+$0x3180] =	vst v0  }
0x90: {  	[tilespmem:s20+$0x7180] =	vst v0  }
0x91: {  	[tilespmem:s17+$0xB200] =	vst v0  }
0x92: {  	[tilespmem:s17+$0x3200] =	vst v0  }
0x93: {  	s18 =	simm.s32 $0x10;
	[tilespmem:s17+$0x7200] =	vst v0  }
.LBB2_26:
0x94: {  	s17 =	sand.u32 $0x70, s18;
	s16 =	sadd.s32 $0x80, s16;
	p0 =	sne.s32 s18, $0x3F0  }
.Ltmp12:
0x95: {  	s18 =	sadd.s32 $0x10, s18;
	s19 =	sand.u32 $0x1C00, s16;
	(pc) =	sbr.rel @p0 .LBB2_26-.Ltmp12, $4  }
0x96: {  	s19 =	sor.u32 s19, s17  }
0x97: {  	s17 =	simm.s32 $0x0;
	[tilespmem:s19+$0xB200] =	vst v0  }
0x98: {  	[tilespmem:s19+$0x3200] =	vst v0  }
0x99: {  	[tilespmem:s19+$0x7200] =	vst v0  }
0x9a: {  	s16 =	sand.u32 $0x70, s17;
	s18 =	sand.u32 $0x1C00, s17  }
0x9b: {  	s16 =	sor.u32 s18, s16  }
0x9c: {  	[tilespmem:s16+$0xB280] =	vst v0  }
0x9d: {  	[tilespmem:s16+$0x3280] =	vst v0  }
0x9e: {  	s19 =	simm.s32 $0x0;
	s18 =	simm.s32 $0x10;
	[tilespmem:s16+$0x7280] =	vst v0  }
.LBB2_28:
0x9f: {  	s20 =	sand.u32 $0x70, s18;
	s19 =	sadd.s32 $0x80, s19;
	p0 =	sne.s32 s18, $0x3F0  }
.Ltmp13:
0xa0: {  	s18 =	sadd.s32 $0x10, s18;
	s21 =	sand.u32 $0x1C00, s19;
	(pc) =	sbr.rel @p0 .LBB2_28-.Ltmp13, $4  }
0xa1: {  	s20 =	sor.u32 s21, s20  }
0xa2: {  	[tilespmem:s20+$0xB280] =	vst v0  }
0xa3: {  	[tilespmem:s20+$0x3280] =	vst v0  }
0xa4: {  	[tilespmem:s20+$0x7280] =	vst v0  }
0xa5: {  	[tilespmem:s16+$0xB300] =	vst v0  }
0xa6: {  	[tilespmem:s16+$0x3300] =	vst v0  }
0xa7: {  	s18 =	simm.s32 $0x10;
	[tilespmem:s16+$0x7300] =	vst v0  }
.LBB2_30:
0xa8: {  	s16 =	sand.u32 $0x70, s18;
	s17 =	sadd.s32 $0x80, s17;
	p0 =	sne.s32 s18, $0x3F0  }
.Ltmp14:
0xa9: {  	s18 =	sadd.s32 $0x10, s18;
	s19 =	sand.u32 $0x1C00, s17;
	(pc) =	sbr.rel @p0 .LBB2_30-.Ltmp14, $4  }
0xaa: {  	s19 =	sor.u32 s19, s16  }
0xab: {  	s16 =	simm.s32 $0x0;
	[tilespmem:s19+$0xB300] =	vst v0  }
0xac: {  	[tilespmem:s19+$0x3300] =	vst v0  }
0xad: {  	[tilespmem:s19+$0x7300] =	vst v0  }
0xae: {  	s18 =	sor.u32 s16, s16  }
0xaf: {  	s17 =	simm.s32 $0x10;
	s19 =	sor.u32 $0x2380, s18;
	s18 =	simm.s32 $0x0  }
.LBB2_32:
0xb0: {  	p0 =	sne.s32 s17, $0x3F0  }
0xb1: {  	[tilespmem:s19+$0x9000] =	vst v0;
	s18 =	sadd.s32 $0x80, s18;
	s20 =	smov.u32 s17;
	s17 =	sadd.s32 $0x10, s17  }
.Ltmp15:
0xb2: {  	[tilespmem:s19+$0x1000] =	vst v0;
	(pc) =	sbr.rel @p0 .LBB2_32-.Ltmp15, $3  }
0xb3: {  	[tilespmem:s19+$0x5000] =	vst v0;
	_ =	sdelay $0x1  }
0xb4: {  	s19 =	sor.u32 s18, s20  }
0xb5: {  	s19 =	sor.u32 $0x2380, s19  }
0xb6: {  	[tilespmem:s19+$0x9000] =	vst v0  }
0xb7: {  	[tilespmem:s19+$0x1000] =	vst v0  }
0xb8: {  	[tilespmem:s19+$0x5000] =	vst v0  }
.LBB2_34:
0xb9: {  	s17 =	sshra.s32 s16, $0x2  }
0xba: {  	v3 =	vld [tilespmem:s17+$0x0];
	_ =	sdelay $0x4  }
0xbb: {  	v4 =	vshll.u32 v3, $0x3  }
0xbc: {  	v3 =	vand.u32 $0x7F, v3;
	v4 =	vand.u32 $0xFFFFFC00, v4  }
0xbd: {  	v3 =	vor.u32 v3, v4  }
0xbe: {  	v63 =	vld [tilespmem:s17+$0x800];
	v3 =	vadd.s32 v1, v3;
	_ =	sdelay $0x4  }
0xbf: {  	[tilespmem:v3+s11+$0x0] =	vst.idx.add.f32.msk $0xffff, v63  }
0xc0: {  	[tilespmem:v3+s12+$0x0] =	vst.idx.add.f32.msk $0xffff, v2  }
0xc1: {  	v5 =	vld.idx.msk [tilespmem:v3+s13+$0x0], $0xffff  }
0xc2: {  	p0 =	sne.s32 s16, $0x1FC0  }
.Ltmp16:
0xc3: {  	_ = 	snop;
	(pc) =	sbr.rel @p0 .LBB2_34-.Ltmp16, $3  }
0xc4: {  	_ =	sdelay $0x1  }
0xc5: {  	v4 =	vmax.f32 v5, v63  }
0xc6: {  	s16 =	sadd.s32 $0x40, s16;
	[tilespmem:v3+s13+$0x0] =	vst.idx.msk $0xffff, v4  }
0xc7: {  	s17 =	simm.s32 $0x0  }
0xc8: {  	s16 =	sand.u32 $0x70, s17;
	s18 =	sand.u32 $0x1C00, s17  }
0xc9: {  	s16 =	sor.u32 s16, s18  }
0xca: {  	v5 =	vld [tilespmem:s16+$0x7300]  }
0xcb: {  	s17 =	sor.u32 s17, s17;
	v4 =	vld [tilespmem:s16+$0x9080]  }
0xcc: {  	s22 =	sor.u32 $0x2380, s17;
	v6 =	vld [tilespmem:s16+$0x9000]  }
0xcd: {  	v3 =	vld [tilespmem:s22+$0x1000]  }
0xce: {  	v7 =	vld [tilespmem:s16+$0x9100]  }
0xcf: {  	v8 =	vld [tilespmem:s16+$0x7200]  }
0xd0: {  	v9 =	vld [tilespmem:s16+$0x9180]  }
0xd1: {  	v10 =	vld [tilespmem:s16+$0xB300]  }
0xd2: {  	v11 =	vld [tilespmem:s16+$0x7100];
	v4 =	vadd.f32 v4, v6  }
0xd3: {  	v6 =	vld [tilespmem:s16+$0x9200]  }
0xd4: {  	v12 =	vld [tilespmem:s16+$0xB280];
	v4 =	vadd.f32 v7, v4  }
0xd5: {  	v7 =	vld [tilespmem:s16+$0x9280]  }
0xd6: {  	v13 =	vld [tilespmem:s22+$0x9000];
	v4 =	vadd.f32 v9, v4  }
0xd7: {  	s17 =	sor.u32 $0x380, s17;
	v9 =	vld [tilespmem:s16+$0x9300]  }
0xd8: {  	v14 =	vld [tilespmem:s17+$0x9000];
	v6 =	vadd.f32 v6, v4  }
0xd9: {  	v15 =	vld [tilespmem:s16+$0x7000]  }
0xda: {  	v16 =	vld [tilespmem:s16+$0xB200];
	v6 =	vadd.f32 v7, v6  }
0xdb: {  	v7 =	vld [tilespmem:s16+$0xB000]  }
0xdc: {  	v50 =	vld [tilespmem:s16+$0xB100];
	v6 =	vadd.f32 v9, v6  }
0xdd: {  	v9 =	vld [tilespmem:s16+$0xB080]  }
0xde: {  	v17 =	vld [tilespmem:s16+$0x5300];
	v6 =	vadd.f32 v14, v6  }
0xdf: {  	v18 =	vld [tilespmem:s16+$0x5200]  }
0xe0: {  	v19 =	vld [tilespmem:s16+$0x1000];
	v6 =	vadd.f32 v7, v6  }
0xe1: {  	v7 =	vld [tilespmem:s16+$0xB180]  }
0xe2: {  	v51 =	vld [tilespmem:s16+$0x5100];
	v6 =	vadd.f32 v9, v6  }
0xe3: {  	v9 =	vld [tilespmem:s16+$0x1080]  }
0xe4: {  	v20 =	vld [tilespmem:s16+$0x1100];
	v6 =	vadd.f32 v50, v6  }
0xe5: {  	v21 =	vld [tilespmem:s16+$0x1180]  }
0xe6: {  	v52 =	vld [tilespmem:s16+$0x5000];
	v6 =	vadd.f32 v7, v6  }
0xe7: {  	v53 =	vld [tilespmem:s16+$0x1200]  }
0xe8: {  	v7 =	vld [tilespmem:s16+$0x5080];
	v9 =	vadd.f32 v9, v19;
	v6 =	vadd.f32 v16, v6  }
0xe9: {  	v54 =	vld [tilespmem:s16+$0x5180]  }
0xea: {  	v55 =	vld [tilespmem:s16+$0x1280];
	v9 =	vadd.f32 v20, v9;
	v6 =	vadd.f32 v12, v6  }
0xeb: {  	v56 =	vld [tilespmem:s16+$0x1300]  }
0xec: {  	v9 =	vadd.f32 v21, v9;
	v6 =	vadd.f32 v10, v6;
	v10 =	vld [tilespmem:s16+$0x5280]  }
0xed: {  	v57 =	vld [tilespmem:s17+$0x5000];
	v7 =	vmax.f32 v52, v7  }
0xee: {  	v58 =	vld [tilespmem:s17+$0x1000];
	v7 =	vmax.f32 v7, v51;
	v9 =	vadd.f32 v53, v9;
	v6 =	vadd.f32 v13, v6  }
0xef: {  	v4 =	vld [tilespmem:s22+$0x5000];
	v7 =	vmax.f32 v7, v54  }
0xf0: {  	[tilespmem:s16+$0x9000] =	vst v6;
	v6 =	vmax.f32 v7, v18;
	v7 =	vadd.f32 v55, v9;
	v9 =	vld [tilespmem:s16+$0x7080]  }
0xf1: {  	v6 =	vmax.f32 v6, v10;
	v10 =	vld [tilespmem:s16+$0x3000]  }
0xf2: {  	v59 =	vld [tilespmem:s16+$0x7180];
	v7 =	vadd.f32 v56, v7;
	v6 =	vmax.f32 v6, v17  }
0xf3: {  	s18 =	simm.s32 $0x80;
	s17 =	simm.s32 $0x10;
	v60 =	vld [tilespmem:s16+$0x3080];
	v6 =	vmax.f32 v6, v57  }
0xf4: {  	s20 =	sand.u32 $0x1C00, s18;
	v61 =	vld [tilespmem:s16+$0x7280];
	s19 =	sand.u32 $0x70, s17;
	v7 =	vadd.f32 v58, v7;
	v6 =	vmax.f32 v6, v15  }
0xf5: {  	v62 =	vld [tilespmem:s16+$0x3100];
	s19 =	sor.u32 s19, s20;
	v9 =	vmax.f32 v6, v9  }
0xf6: {  	v6 =	vld [tilespmem:s19+$0x7300];
	v7 =	vadd.f32 v10, v7;
	v10 =	vmax.f32 v9, v11  }
0xf7: {  	v9 =	vld [tilespmem:s16+$0x3180];
	v10 =	vmax.f32 v10, v59  }
0xf8: {  	v11 =	vadd.f32 v60, v7;
	v10 =	vmax.f32 v10, v8;
	v8 =	vld [tilespmem:s16+$0x3300]  }
0xf9: {  	v7 =	vld [tilespmem:s16+$0x3200];
	v63 =	vmax.f32 v10, v61  }
0xfa: {  	s20 =	simm.s32 $0x20;
	v10 =	vld [tilespmem:s16+$0x3280];
	v11 =	vadd.f32 v62, v11;
	v5 =	vmax.f32 v63, v5  }
.LBB2_36:
0xfb: {  	p0 =	sne.s32 s20, $0x3F0;
	v12 =	vld [tilespmem:s19+$0x9080];
	s21 =	sor.u32 s17, s18;
	v4 =	vmax.f32 v5, v4;
	v5 =	vmov v6;
	s17 =	smov.u32 s20  }
0xfc: {  	v6 =	vld [tilespmem:s19+$0x9000];
	s22 =	sor.u32 $0x2380, s21;
	v9 =	vadd.f32 v9, v11;
	[tilespmem:s16+$0x5000] =	vst v4  }
0xfd: {  	v4 =	vld [tilespmem:s22+$0x1000]  }
0xfe: {  	v11 =	vld [tilespmem:s19+$0x9100];
	v9 =	vadd.f32 v7, v9  }
0xff: {  	v7 =	vld [tilespmem:s19+$0x7200]  }
0x100: {  	v13 =	vld [tilespmem:s19+$0x9180];
	v9 =	vadd.f32 v10, v9  }
0x101: {  	v6 =	vadd.f32 v12, v6;
	v10 =	vld [tilespmem:s19+$0xB300]  }
0x102: {  	v12 =	vld [tilespmem:s19+$0x9200];
	v8 =	vadd.f32 v8, v9  }
0x103: {  	v6 =	vadd.f32 v11, v6;
	v9 =	vld [tilespmem:s19+$0x7100]  }
0x104: {  	v11 =	vld [tilespmem:s19+$0x9280];
	v8 =	vadd.f32 v3, v8;
	v3 =	vmov v4  }
0x105: {  	v4 =	vadd.f32 v13, v6;
	v6 =	vld [tilespmem:s19+$0xB280]  }
0x106: {  	v13 =	vld [tilespmem:s19+$0x9300];
	[tilespmem:s16+$0x1000] =	vst v8;
	s16 =	smov.u32 s19  }
0x107: {  	s19 =	sor.u32 $0x380, s21;
	v4 =	vadd.f32 v12, v4;
	v8 =	vld [tilespmem:s22+$0x9000]  }
0x108: {  	v12 =	vld [tilespmem:s19+$0x9000]  }
0x109: {  	v11 =	vadd.f32 v11, v4;
	v4 =	vld [tilespmem:s22+$0x5000]  }
0x10a: {  	v14 =	vld [tilespmem:s16+$0xB000]  }
0x10b: {  	v11 =	vadd.f32 v13, v11;
	v13 =	vld [tilespmem:s16+$0x7000]  }
0x10c: {  	v15 =	vld [tilespmem:s16+$0xB080]  }
0x10d: {  	v11 =	vadd.f32 v12, v11;
	v12 =	vld [tilespmem:s16+$0xB200]  }
0x10e: {  	v16 =	vld [tilespmem:s16+$0xB100]  }
0x10f: {  	v17 =	vld [tilespmem:s16+$0x5300];
	v11 =	vadd.f32 v14, v11  }
0x110: {  	v14 =	vld [tilespmem:s16+$0xB180]  }
0x111: {  	v18 =	vld [tilespmem:s16+$0x5200];
	v11 =	vadd.f32 v15, v11  }
0x112: {  	v15 =	vld [tilespmem:s16+$0x1080]  }
0x113: {  	v19 =	vld [tilespmem:s16+$0x1000];
	v11 =	vadd.f32 v16, v11  }
0x114: {  	v16 =	vld [tilespmem:s16+$0x5100]  }
0x115: {  	v20 =	vld [tilespmem:s16+$0x1100];
	v11 =	vadd.f32 v14, v11  }
0x116: {  	v14 =	vld [tilespmem:s16+$0x5080]  }
0x117: {  	v21 =	vld [tilespmem:s16+$0x1180];
	v11 =	vadd.f32 v12, v11  }
0x118: {  	v12 =	vld [tilespmem:s16+$0x5000];
	v15 =	vadd.f32 v15, v19  }
0x119: {  	v19 =	vld [tilespmem:s16+$0x1200];
	v6 =	vadd.f32 v6, v11  }
0x11a: {  	v11 =	vadd.f32 v20, v15;
	v15 =	vld [tilespmem:s16+$0x5180]  }
0x11b: {  	v20 =	vld [tilespmem:s16+$0x1280];
	v6 =	vadd.f32 v10, v6  }
0x11c: {  	v10 =	vadd.f32 v21, v11;
	v11 =	vld [tilespmem:s16+$0x5280]  }
0x11d: {  	v12 =	vmax.f32 v12, v14;
	v14 =	vld [tilespmem:s16+$0x1300];
	v6 =	vadd.f32 v8, v6  }
0x11e: {  	v8 =	vmax.f32 v12, v16;
	v10 =	vadd.f32 v19, v10;
	v12 =	vld [tilespmem:s19+$0x5000]  }
0x11f: {  	v8 =	vmax.f32 v8, v15;
	v15 =	vld [tilespmem:s19+$0x1000];
	[tilespmem:s16+$0x9000] =	vst v6  }
0x120: {  	v6 =	vmax.f32 v8, v18;
	v8 =	vadd.f32 v20, v10;
	v10 =	vld [tilespmem:s16+$0x7080]  }
0x121: {  	v6 =	vmax.f32 v6, v11;
	v11 =	vld [tilespmem:s16+$0x3000]  }
0x122: {  	v8 =	vadd.f32 v14, v8;
	v6 =	vmax.f32 v6, v17;
	v14 =	vld [tilespmem:s16+$0x7180]  }
0x123: {  	s18 =	sadd.s32 $0x80, s18;
	v6 =	vmax.f32 v6, v12;
	v12 =	vld [tilespmem:s16+$0x3080]  }
0x124: {  	s21 =	sand.u32 $0x1C00, s18;
	s19 =	sand.u32 $0x70, s20;
	v8 =	vadd.f32 v15, v8;
	v6 =	vmax.f32 v6, v13;
	v13 =	vld [tilespmem:s16+$0x7280]  }
0x125: {  	s19 =	sor.u32 s19, s21;
	v10 =	vmax.f32 v6, v10;
	v15 =	vld [tilespmem:s16+$0x3100]  }
.Ltmp17:
0x126: {  	v6 =	vld [tilespmem:s19+$0x7300];
	v8 =	vadd.f32 v11, v8;
	v10 =	vmax.f32 v10, v9;
	(pc) =	sbr.rel @p0 .LBB2_36-.Ltmp17, $4  }
0x127: {  	v9 =	vld [tilespmem:s16+$0x3180];
	v10 =	vmax.f32 v10, v14  }
0x128: {  	v11 =	vadd.f32 v12, v8;
	v10 =	vmax.f32 v10, v7;
	v8 =	vld [tilespmem:s16+$0x3300]  }
0x129: {  	v7 =	vld [tilespmem:s16+$0x3200];
	v12 =	vmax.f32 v10, v13  }
0x12a: {  	s20 =	sadd.s32 $0x10, s20;
	v11 =	vadd.f32 v15, v11;
	v10 =	vld [tilespmem:s16+$0x3280];
	v5 =	vmax.f32 v12, v5  }
0x12b: {  	v12 =	vld [tilespmem:s19+$0x9080]  }
0x12c: {  	v4 =	vmax.f32 v5, v4;
	v28 =	vld [tilespmem:s19+$0x9000]  }
0x12d: {  	v9 =	vadd.f32 v9, v11;
	[tilespmem:s16+$0x5000] =	vst v4  }
0x12e: {  	v4 =	vld [tilespmem:s19+$0x9100]  }
0x12f: {  	v29 =	vld [tilespmem:s19+$0x7200];
	v7 =	vadd.f32 v7, v9  }
0x130: {  	v30 =	vld [tilespmem:s19+$0x9180]  }
0x131: {  	v32 =	vld [tilespmem:s19+$0x7100];
	v7 =	vadd.f32 v10, v7;
	v5 =	vadd.f32 v12, v28  }
0x132: {  	v13 =	vld [tilespmem:s19+$0x9200]  }
0x133: {  	v31 =	vld [tilespmem:s19+$0xB300];
	v7 =	vadd.f32 v8, v7;
	v4 =	vadd.f32 v4, v5  }
0x134: {  	v33 =	vld [tilespmem:s19+$0x9280]  }
0x135: {  	v34 =	vld [tilespmem:s19+$0xB280];
	v3 =	vadd.f32 v3, v7;
	v4 =	vadd.f32 v30, v4  }
0x136: {  	s17 =	sor.u32 s17, s18;
	v35 =	vld [tilespmem:s19+$0x9300]  }
0x137: {  	s22 =	sor.u32 $0x380, s17;
	v42 =	vld [tilespmem:s19+$0x1080];
	[tilespmem:s16+$0x1000] =	vst v3;
	v4 =	vadd.f32 v13, v4  }
0x138: {  	v37 =	vld [tilespmem:s22+$0x9000]  }
0x139: {  	v43 =	vld [tilespmem:s19+$0x1100];
	v4 =	vadd.f32 v33, v4  }
0x13a: {  	v38 =	vld [tilespmem:s19+$0xB000]  }
0x13b: {  	v44 =	vld [tilespmem:s19+$0x1180];
	v4 =	vadd.f32 v35, v4  }
0x13c: {  	v39 =	vld [tilespmem:s19+$0xB080]  }
0x13d: {  	v46 =	vld [tilespmem:s19+$0x1200];
	v4 =	vadd.f32 v37, v4  }
0x13e: {  	v40 =	vld [tilespmem:s19+$0xB100]  }
0x13f: {  	v41 =	vld [tilespmem:s19+$0xB180];
	v4 =	vadd.f32 v38, v4  }
0x140: {  	v19 =	vld [tilespmem:s19+$0x1000]  }
0x141: {  	v48 =	vld [tilespmem:s19+$0x1280];
	v4 =	vadd.f32 v39, v4  }
0x142: {  	v18 =	vld [tilespmem:s19+$0xB200]  }
0x143: {  	v50 =	vld [tilespmem:s19+$0x1300];
	v4 =	vadd.f32 v40, v4  }
0x144: {  	v54 =	vld [tilespmem:s19+$0x3000]  }
0x145: {  	v55 =	vld [tilespmem:s19+$0x3080];
	v7 =	vadd.f32 v42, v19;
	v4 =	vadd.f32 v41, v4  }
0x146: {  	v56 =	vld [tilespmem:s19+$0x3100]  }
0x147: {  	s18 =	sor.u32 $0x2380, s17;
	v57 =	vld [tilespmem:s19+$0x3180];
	v7 =	vadd.f32 v43, v7;
	v4 =	vadd.f32 v18, v4  }
0x148: {  	v36 =	vld [tilespmem:s18+$0x9000]  }
0x149: {  	v3 =	vld [tilespmem:s18+$0x1000];
	v7 =	vadd.f32 v44, v7;
	v4 =	vadd.f32 v34, v4  }
0x14a: {  	v14 =	vld [tilespmem:s18+$0x5000]  }
0x14b: {  	v15 =	vld [tilespmem:s22+$0x5000];
	v7 =	vadd.f32 v46, v7;
	v4 =	vadd.f32 v31, v4  }
0x14c: {  	v16 =	vld [tilespmem:s22+$0x1000]  }
0x14d: {  	v47 =	vld [tilespmem:s19+$0x5080];
	v53 =	vadd.f32 v48, v7;
	v4 =	vadd.f32 v36, v4  }
0x14e: {  	v49 =	vld [tilespmem:s19+$0x5000]  }
0x14f: {  	v45 =	vld [tilespmem:s19+$0x5100];
	[tilespmem:s19+$0x9000] =	vst v4;
	v4 =	vadd.f32 v50, v53  }
0x150: {  	v51 =	vld [tilespmem:s19+$0x5180]  }
0x151: {  	v21 =	vld [tilespmem:s19+$0x5200];
	v4 =	vadd.f32 v16, v4  }
0x152: {  	v52 =	vld [tilespmem:s19+$0x5280]  }
0x153: {  	v20 =	vld [tilespmem:s19+$0x5300];
	v5 =	vmax.f32 v49, v47;
	v4 =	vadd.f32 v54, v4  }
0x154: {  	v59 =	vld [tilespmem:s19+$0x3200];
	v5 =	vmax.f32 v5, v45  }
0x155: {  	v17 =	vld [tilespmem:s19+$0x7000];
	v5 =	vmax.f32 v5, v51;
	v4 =	vadd.f32 v55, v4  }
0x156: {  	v58 =	vld [tilespmem:s19+$0x7080];
	v5 =	vmax.f32 v5, v21  }
0x157: {  	v61 =	vld [tilespmem:s19+$0x3280];
	v5 =	vmax.f32 v5, v52;
	v4 =	vadd.f32 v56, v4  }
0x158: {  	v60 =	vld [tilespmem:s19+$0x7180];
	v5 =	vmax.f32 v5, v20  }
0x159: {  	v63 =	vld [tilespmem:s19+$0x3300];
	v5 =	vmax.f32 v5, v15;
	v4 =	vadd.f32 v57, v4  }
0x15a: {  	v62 =	vld [tilespmem:s19+$0x7280];
	v5 =	vmax.f32 v5, v17  }
0x15b: {  	v5 =	vmax.f32 v5, v58;
	v4 =	vadd.f32 v59, v4  }
0x15c: {  	v5 =	vmax.f32 v5, v32  }
0x15d: {  	v5 =	vmax.f32 v5, v60;
	v4 =	vadd.f32 v61, v4  }
0x15e: {  	v5 =	vmax.f32 v5, v29  }
0x15f: {  	v5 =	vmax.f32 v5, v62;
	v4 =	vadd.f32 v63, v4  }
0x160: {  	v5 =	vmax.f32 v5, v6  }
0x161: {  	v5 =	vmax.f32 v5, v14;
	v3 =	vadd.f32 v3, v4  }
0x162: {  	[tilespmem:s19+$0x5000] =	vst v5  }
0x163: {  	[tilespmem:s19+$0x1000] =	vst v3  }
0x164: {  	[hbm4b:s5+s2] =	stream.linear.scatter [tilespmem:s11], [sflag:$0x1], $0x80, $0x38;
	[tilespmem:$0xD000] =	vst v63  }
0x165: {  	s17 =	sadd.s32 $0x80, s5;
	s18 =	simm.s32 $0x1400  }
0x166: {  	[hbm4b:s17+s2] =	stream.linear.scatter [tilespmem:s18], [sflag:$0x1], $0x80, $0x38;
	[tilespmem:$0xD000] =	vst v63  }
0x167: {  	s20 =	simm.s32 $0x1800;
	s19 =	sadd.s32 $0x100, s5  }
0x168: {  	[hbm4b:s19+s2] =	stream.linear.scatter [tilespmem:s20], [sflag:$0x1], $0x80, $0x38;
	[tilespmem:$0xD000] =	vst v63  }
0x169: {  	s21 =	sadd.s32 $0x180, s5;
	s22 =	simm.s32 $0x1C00  }
0x16a: {  	[hbm4b:s21+s2] =	stream.linear.scatter [tilespmem:s22], [sflag:$0x1], $0x80, $0x38;
	[tilespmem:$0xD000] =	vst v63  }
0x16b: {  	s17 =	sadd.s32 $0x200, s5;
	s18 =	simm.s32 $0x2000  }
0x16c: {  	[hbm4b:s17+s2] =	stream.linear.scatter [tilespmem:s18], [sflag:$0x1], $0x80, $0x38;
	[tilespmem:$0xD000] =	vst v63  }
0x16d: {  	s19 =	sadd.s32 $0x280, s5;
	s20 =	simm.s32 $0x2400  }
0x16e: {  	[hbm4b:s19+s2] =	stream.linear.scatter [tilespmem:s20], [sflag:$0x1], $0x80, $0x38;
	[tilespmem:$0xD000] =	vst v63  }
0x16f: {  	s21 =	sadd.s32 $0x300, s5;
	s22 =	simm.s32 $0x2800  }
0x170: {  	[hbm4b:s21+s2] =	stream.linear.scatter [tilespmem:s22], [sflag:$0x1], $0x80, $0x38;
	[tilespmem:$0xD000] =	vst v63  }
0x171: {  	s17 =	sadd.s32 $0x380, s5;
	s18 =	simm.s32 $0x2C00  }
0x172: {  	[hbm4b:s17+s2] =	stream.linear.scatter [tilespmem:s18], [sflag:$0x1], $0x80, $0x38;
	[tilespmem:$0xD000] =	vst v63  }
0x173: {  	_ =	swait.ge [sflag:s9], $0x400  }
0x174: {  	[sflag:s9] =	ssyncset.done $0x0  }
0x175: {  	[sflag:s9] =	ssyncadd.s32 $0xFFFFFC00  }
0x176: {  	[hbm4b:s6+s2] =	stream.linear.scatter [tilespmem:s13], [sflag:$0x1], $0x80, $0x38;
	[tilespmem:$0xD000] =	vst v63  }
0x177: {  	s19 =	sadd.s32 $0x80, s6;
	s20 =	simm.s32 $0x5400  }
0x178: {  	[hbm4b:s19+s2] =	stream.linear.scatter [tilespmem:s20], [sflag:$0x1], $0x80, $0x38;
	[tilespmem:$0xD000] =	vst v63  }
0x179: {  	s21 =	sadd.s32 $0x100, s6;
	s22 =	simm.s32 $0x5800  }
0x17a: {  	[hbm4b:s21+s2] =	stream.linear.scatter [tilespmem:s22], [sflag:$0x1], $0x80, $0x38;
	[tilespmem:$0xD000] =	vst v63  }
0x17b: {  	s17 =	sadd.s32 $0x180, s6  }
0x17c: {  	[hbm4b:s17+s2] =	stream.linear.scatter [tilespmem:s23], [sflag:$0x1], $0x80, $0x38;
	[tilespmem:$0xD000] =	vst v63  }
0x17d: {  	s18 =	sadd.s32 $0x200, s6  }
0x17e: {  	[hbm4b:s18+s2] =	stream.linear.scatter [tilespmem:s24], [sflag:$0x1], $0x80, $0x38;
	[tilespmem:$0xD000] =	vst v63  }
0x17f: {  	s19 =	sadd.s32 $0x280, s6  }
0x180: {  	[hbm4b:s19+s2] =	stream.linear.scatter [tilespmem:s25], [sflag:$0x1], $0x80, $0x38;
	[tilespmem:$0xD000] =	vst v63  }
0x181: {  	s20 =	sadd.s32 $0x300, s6  }
0x182: {  	[hbm4b:s20+s2] =	stream.linear.scatter [tilespmem:s26], [sflag:$0x1], $0x80, $0x38;
	[tilespmem:$0xD000] =	vst v63  }
0x183: {  	s21 =	sadd.s32 $0x380, s6  }
0x184: {  	[hbm4b:s21+s2] =	stream.linear.scatter [tilespmem:s28], [sflag:$0x1], $0x80, $0x38;
	[tilespmem:$0xD000] =	vst v63  }
0x185: {  	_ =	swait.ge [sflag:s9], $0x400  }
0x186: {  	[sflag:s9] =	ssyncset.done $0x0  }
0x187: {  	[sflag:s9] =	ssyncadd.s32 $0xFFFFFC00  }
0x188: {  	[hbm4b:s7+s2] =	stream.linear.scatter [tilespmem:s12], [sflag:$0x1], $0x80, $0x38;
	[tilespmem:$0xD000] =	vst v63  }
0x189: {  	s22 =	sadd.s32 $0x80, s7  }
0x18a: {  	[hbm4b:s22+s2] =	stream.linear.scatter [tilespmem:s29], [sflag:$0x1], $0x80, $0x38;
	[tilespmem:$0xD000] =	vst v63  }
0x18b: {  	s17 =	sadd.s32 $0x100, s7  }
0x18c: {  	[hbm4b:s17+s2] =	stream.linear.scatter [tilespmem:s30], [sflag:$0x1], $0x80, $0x38;
	[tilespmem:$0xD000] =	vst v63  }
0x18d: {  	s18 =	sadd.s32 $0x180, s7  }
0x18e: {  	[hbm4b:s18+s2] =	stream.linear.scatter [tilespmem:s31], [sflag:$0x1], $0x80, $0x38;
	[tilespmem:$0xD000] =	vst v63  }
0x18f: {  	s19 =	sadd.s32 $0x200, s7  }
0x190: {  	[hbm4b:s19+s2] =	stream.linear.scatter [tilespmem:s0], [sflag:$0x1], $0x80, $0x38;
	[tilespmem:$0xD000] =	vst v63  }
0x191: {  	s15 =	sadd.s32 $0x1, s15;
	s20 =	sadd.s32 $0x280, s7  }
0x192: {  	[hbm4b:s20+s2] =	stream.linear.scatter [tilespmem:s1], [sflag:$0x1], $0x80, $0x38;
	[tilespmem:$0xD000] =	vst v63  }
0x193: {  	p0 =	sne.s32 s15, s8;
	s21 =	sadd.s32 $0x300, s7  }
0x194: {  	[hbm4b:s21+s2] =	stream.linear.scatter [tilespmem:s10], [sflag:$0x1], $0x80, $0x38;
	[tilespmem:$0xD000] =	vst v63  }
.Ltmp18:
0x195: {  	s22 =	sadd.s32 $0x380, s7;
	(pc) =	sbr.rel @p0 .LBB2_1-.Ltmp18, $4  }
0x196: {  	[hbm4b:s22+s2] =	stream.linear.scatter [tilespmem:s14], [sflag:$0x1], $0x80, $0x38;
	[tilespmem:$0xD000] =	vst v63  }
0x197: {  	_ =	swait.ge [sflag:s9], $0x400  }
0x198: {  	[sflag:s9] =	ssyncset.done $0x0  }
0x199: {  	[sflag:s9] =	ssyncadd.s32 $0xFFFFFC00  }
0x19a: {  	_ =	sfence.sel $0x180000  }
0x19b: {  	[bflag:$0x0] =	sbarrier.arrive $0xFFFF  }
0x19c: {  	_ =	strace $0x90000047  }
0x19d: {  	s0 =	stileid.u32;
	[bflag:$0x2] =	sbarrier.arrive $0xFFFF  }
0x19e: {  	p0 =	sne.s32 s0, $0x0;
	s0 =	rddreg [dreg:$0x1]  }
0x19f: {  	s0 =	sadd.s32 @!p0 $0x100000, s0  }
0x1a0: {  	[sflag:s0] =	ssyncadd.tile.s32 @!p0 $0x1;
	_ =	shalt  }
.Lfunc_end2:
_tile_overlayer_lowered:
.L_overlay_start_2:
0x1a1: {  	(tag) =	ssettag $0x2  }
0x1a2: {  	s0 =	rddreg [dreg:$0x0];
	s2 =	stileid.u32  }
0x1a3: {  	s1 =	rddreg [dreg:$0x1];
	p0 =	sne.s32 s2, $0x0  }
0x1a4: {  	s3 =	rddreg [dreg:$0x2];
	[bflag:$0x3] =	sbarrier.arrive $0xFFFF;
	s2 =	simm.s32 @!p0 $0x1C01  }
0x1a5: {  	[timem:s3], [sflag:s2] =	dma.local @!p0 [hbm:s0], s1  }
0x1a6: {  	s0 =	simm.s32 @!p0 $0x1  }
0x1a7: {  	_ =	swait.ge @!p0 [sflag:s0], s1  }
0x1a8: {  	s1 =	ssub.s32 @!p0 $0x0, s1;
	[sflag:s0] =	ssyncset.done @!p0 $0x0  }
0x1a9: {  	[sflag:s0] =	ssyncadd.s32 @!p0 s1  }
0x1aa: {  	[bflag:$0x3] =	sbarrier.arrive $0xFFFF  }
0x1ab: {  	_ =	shalt  }

</sc_bundles>
